<compile_context>
chip_gen: v7x
topology: tpu7x:2x2x1
jax: 0.10.2.dev20260603
libtpu: 0.0.44.dev20260713+nightly
codegen_flags: <defaults>
</compile_context>

<pallas_src>
import functools

import jax
import jax.numpy as jnp
from jax import lax
from jax.experimental import pallas as pl
from jax.experimental.pallas import tpu as pltpu
from jax.experimental.pallas import tpu_sc as plsc

N = 10000
E = 320000
D = 128
HEADS = 8
DH = D // HEADS

NC = 2
NS = 16
NW = NC * NS
EPW = E // NW
CHUNK = 80
NCHUNK = EPW // CHUNK

BE = 1000
BN = 1000
BM = 1000
BES = 2000


def _gather_body(xsrc, xdst, src, dst, gA, gB, idx_s, idx_d, bufA, bufB,
                 semA, semB):
    wid = lax.axis_index("s") * NC + lax.axis_index("c")
    base0 = wid * EPW

    def body(j, carry):
        base = base0 + j * CHUNK
        pltpu.sync_copy(src.at[pl.ds(base, CHUNK)], idx_s)
        pltpu.sync_copy(dst.at[pl.ds(base, CHUNK)], idx_d)
        ca = pltpu.async_copy(xsrc.at[idx_s], bufA, semA)
        cb = pltpu.async_copy(xdst.at[idx_d], bufB, semB)
        ca.wait()
        cb.wait()
        pltpu.sync_copy(bufA, gA.at[pl.ds(base, CHUNK)])
        pltpu.sync_copy(bufB, gB.at[pl.ds(base, CHUNK)])
        return carry

    lax.fori_loop(0, NCHUNK, body, 0)


@functools.cache
def _gather_kernel():
    return pl.kernel(
        _gather_body,
        mesh=plsc.VectorSubcoreMesh(core_axis_name="c", subcore_axis_name="s"),
        out_type=[
        jax.ShapeDtypeStruct((E, D), jnp.float32),
        jax.ShapeDtypeStruct((E, D), jnp.float32),
    ],
    scratch_types=[
        pltpu.VMEM((CHUNK,), jnp.int32),
        pltpu.VMEM((CHUNK,), jnp.int32),
        pltpu.VMEM((CHUNK, D), jnp.float32),
        pltpu.VMEM((CHUNK, D), jnp.float32),
        pltpu.SemaphoreType.DMA,
        pltpu.SemaphoreType.DMA,
    ],
    )


def _edge_block(gA, gB, ea, W0s, W0d, W0e, b0, Ac, cv, Wv1, vb1, Rr, msg, wp):
    f32 = jnp.float32
    pre = (jnp.dot(gA[...], W0s[...], preferred_element_type=f32)
           + jnp.dot(gB[...], W0d[...], preferred_element_type=f32)
           + jnp.dot(ea[...], W0e[...], preferred_element_type=f32)
           + b0[...])
    h = jnp.maximum(pre, 0.0)
    s = jnp.dot(h[:, :D], Ac[...], preferred_element_type=f32) + cv[...]
    w = jnp.exp(jnp.clip(s, -75.0, 75.0))
    v = jnp.dot(h[:, D:], Wv1[...], preferred_element_type=f32) + vb1[...]
    msg[...] = jnp.dot(w, Rr[...], preferred_element_type=f32) * v
    wp[...] = w


def _edge_call(gA, gB, ea, W0s, W0d, W0e, b0, Ac, cv, Wv1, vb1, Rr):
    grid = (E // BE,)
    full = lambda shape: pl.BlockSpec(shape, lambda i: (0,) * len(shape))
    return pl.pallas_call(
        _edge_block,
        grid=grid,
        in_specs=[
            pl.BlockSpec((BE, D), lambda i: (i, 0)),
            pl.BlockSpec((BE, D), lambda i: (i, 0)),
            pl.BlockSpec((BE, 16), lambda i: (i, 0)),
            full((D, 2 * D)), full((D, 2 * D)), full((16, 2 * D)),
            full((1, 2 * D)), full((D, DH)), full((1, DH)),
            full((D, D)), full((1, D)), full((DH, D)),
        ],
        out_specs=[
            pl.BlockSpec((BE, D), lambda i: (i, 0)),
            pl.BlockSpec((BE, DH), lambda i: (i, 0)),
        ],
        out_shape=[
            jax.ShapeDtypeStruct((E, D), jnp.float32),
            jax.ShapeDtypeStruct((E, DH), jnp.float32),
        ],
    )(gA, gB, ea, W0s, W0d, W0e, b0, Ac, cv, Wv1, vb1, Rr)


def _scatter_block(dstb, msg, wp, onum, oden):
    j = pl.program_id(0)

    @pl.when(j == 0)
    def _():
        onum[...] = jnp.zeros_like(onum)
        oden[...] = jnp.zeros_like(oden)

    f32 = jnp.float32
    dstv = dstb[...].reshape(1, BES)
    msgv = msg[...].astype(jnp.bfloat16)
    wpv = wp[...].astype(jnp.bfloat16)
    iota = lax.broadcasted_iota(jnp.int32, (BM, BES), 0)
    for i in range(N // BM):
        oh = (iota + i * BM == dstv).astype(jnp.bfloat16)
        onum[i * BM:(i + 1) * BM, :] += jnp.dot(oh, msgv,
                                                preferred_element_type=f32)
        oden[i * BM:(i + 1) * BM, :] += jnp.dot(oh, wpv,
                                                preferred_element_type=f32)


def _scatter_call(dst2, msg, wp):
    grid = (E // BES,)
    return pl.pallas_call(
        _scatter_block,
        grid=grid,
        in_specs=[
            pl.BlockSpec((1, 1, BES), lambda j: (j, 0, 0)),
            pl.BlockSpec((BES, D), lambda j: (j, 0)),
            pl.BlockSpec((BES, DH), lambda j: (j, 0)),
        ],
        out_specs=[
            pl.BlockSpec((N, D), lambda j: (0, 0)),
            pl.BlockSpec((N, DH), lambda j: (0, 0)),
        ],
        out_shape=[
            jax.ShapeDtypeStruct((N, D), jnp.float32),
            jax.ShapeDtypeStruct((N, DH), jnp.float32),
        ],
    )(dst2, msg, wp)


def _finish_block(num_r, den_r, oW0, ob0, oW1, ob1, Rr, out):
    f32 = jnp.float32
    num = num_r[...]
    den_rep = jnp.dot(den_r[...], Rr[...], preferred_element_type=f32)
    gg = jnp.maximum(num / (den_rep + 1e-16), 0.0)
    ho = jnp.maximum(jnp.dot(gg, oW0[...], preferred_element_type=f32)
                     + ob0[...], 0.0)
    out[...] = jnp.maximum(jnp.dot(ho, oW1[...], preferred_element_type=f32)
                           + ob1[...] + ho, 0.0)


def _finish_call(num, den, oW0, ob0, oW1, ob1, Rr):
    grid = (N // BN,)
    full = lambda shape: pl.BlockSpec(shape, lambda i: (0,) * len(shape))
    return pl.pallas_call(
        _finish_block,
        grid=grid,
        in_specs=[
            pl.BlockSpec((BN, D), lambda i: (i, 0)),
            pl.BlockSpec((BN, DH), lambda i: (i, 0)),
            full((D, D)), full((1, D)), full((D, D)), full((1, D)),
            full((DH, D)),
        ],
        out_specs=pl.BlockSpec((BN, D), lambda i: (i, 0)),
        out_shape=jax.ShapeDtypeStruct((N, D), jnp.float32),
    )(num, den, oW0, ob0, oW1, ob1, Rr)


def kernel(x_src, x_dst, edge_attr, edge_index, q,
           k_W0, k_b0, k_W1, k_b1,
           v_W0, v_b0, v_W1, v_b1,
           o_W0, o_b0, o_W1, o_b1):
    src = edge_index[0]
    dst = edge_index[1]

    W0cat = jnp.concatenate([k_W0, v_W0], axis=1)
    W0s, W0d, W0e = W0cat[:D], W0cat[D:2 * D], W0cat[2 * D:]
    b0 = jnp.concatenate([k_b0, v_b0]).reshape(1, 2 * D)
    lane = jnp.arange(D)
    Qh = jnp.zeros((D, HEADS), jnp.float32).at[lane, lane // DH].set(q[0])
    Ac = (k_W1 + jnp.eye(D, dtype=jnp.float32)) @ Qh / jnp.sqrt(float(DH))
    Ac = jnp.pad(Ac, ((0, 0), (0, DH - HEADS)))
    cv = jnp.pad(k_b1 @ Qh / jnp.sqrt(float(DH)), (0, DH - HEADS))
    cv = cv.reshape(1, DH)
    Wv1 = v_W1 + jnp.eye(D, dtype=jnp.float32)
    vb1 = v_b1.reshape(1, D)
    Rr = jnp.zeros((DH, D), jnp.float32).at[lane // DH, lane].set(1.0)

    gA, gB = _gather_kernel()(x_src, x_dst, src, dst)
    msg, wp = _edge_call(gA, gB, edge_attr, W0s, W0d, W0e, b0, Ac, cv,
                         Wv1, vb1, Rr)
    dst2 = dst.reshape(E // BES, 1, BES)
    num, den = _scatter_call(dst2, msg, wp)
    return _finish_call(num, den, o_W0, o_b0.reshape(1, D),
                        o_W1, o_b1.reshape(1, D), Rr)

# --- scband reference (transcript-rebuilt; emitter-appended) ---
"""Pipeline reference for scband-neighborhood-attention-34608846471407 (READ-ONLY COPY).

The authoritative reference and input builder live on the scoring server;
editing this copy changes nothing except your own understanding.
"""

import jax, jax.numpy as jnp
import numpy as np

N = 10000
E = 320000
D_FEAT = 128
D_EDGE = 16
D_OUT = 128
HEADS = 8
IN_DIM = D_FEAT + D_FEAT + D_EDGE  # 272


def setup_inputs(seed: int = 0) -> dict:
    key = jax.random.key(seed)
    ks = jax.random.split(key, 20)
    inp = {
        "x_src": jax.random.normal(ks[0], (N, D_FEAT), dtype=jnp.float32),
        "x_dst": jax.random.normal(ks[1], (N, D_FEAT), dtype=jnp.float32),
        "edge_attr": jax.random.normal(ks[2], (E, D_EDGE), dtype=jnp.float32),
        "edge_index": jax.random.randint(ks[3], (2, E), 0, N, dtype=jnp.int32),
        "q": jax.random.uniform(ks[4], (1, D_OUT), dtype=jnp.float32) * 0.1,
        "k_W0": jax.random.normal(ks[5], (IN_DIM, D_OUT), dtype=jnp.float32) * 0.05,
        "k_b0": jnp.zeros((D_OUT,), dtype=jnp.float32),
        "k_W1": jax.random.normal(ks[6], (D_OUT, D_OUT), dtype=jnp.float32) * 0.05,
        "k_b1": jnp.zeros((D_OUT,), dtype=jnp.float32),
        "v_W0": jax.random.normal(ks[7], (IN_DIM, D_OUT), dtype=jnp.float32) * 0.05,
        "v_b0": jnp.zeros((D_OUT,), dtype=jnp.float32),
        "v_W1": jax.random.normal(ks[8], (D_OUT, D_OUT), dtype=jnp.float32) * 0.05,
        "v_b1": jnp.zeros((D_OUT,), dtype=jnp.float32),
        "o_W0": jax.random.normal(ks[9], (D_OUT, D_OUT), dtype=jnp.float32) * 0.05,
        "o_b0": jnp.zeros((D_OUT,), dtype=jnp.float32),
        "o_W1": jax.random.normal(ks[10], (D_OUT, D_OUT), dtype=jnp.float32) * 0.05,
        "o_b1": jnp.zeros((D_OUT,), dtype=jnp.float32),
    }
    return inp


def _residual_stack(x, W0, b0, W1, b1, last_activation):
    # ResidualStack(in, out, n_residuals=2): linear -> relu -> linear (+residual)
    h = jnp.maximum(x @ W0 + b0, 0.0)
    y = h @ W1 + b1 + h
    if last_activation:
        y = jnp.maximum(y, 0.0)
    return y


def reference(x_src, x_dst, edge_attr, edge_index, q,
              k_W0, k_b0, k_W1, k_b1,
              v_W0, v_b0, v_W1, v_b1,
              o_W0, o_b0, o_W1, o_b1):
    src = edge_index[0]
    dst = edge_index[1]
    xs = jnp.take(x_src, src, axis=0)
    xd = jnp.take(x_dst, dst, axis=0)
    x = jnp.concatenate([xs, xd, edge_attr], axis=-1)
    k = _residual_stack(x, k_W0, k_b0, k_W1, k_b1, False)
    v = _residual_stack(x, v_W0, v_b0, v_W1, v_b1, False)
    d = D_OUT // HEADS
    qh = q.reshape(1, HEADS, d)
    kh = k.reshape(-1, HEADS, d)
    vh = v.reshape(-1, HEADS, d)
    scores = jnp.sum(qh * kh, axis=-1) / jnp.sqrt(float(d))  # [E, HEADS]
    seg_max = jax.ops.segment_max(scores, dst, num_segments=N)
    seg_max = jnp.where(jnp.isfinite(seg_max), seg_max, 0.0)
    seg_max = jax.lax.stop_gradient(seg_max)
    ex = jnp.exp(scores - seg_max[dst])
    denom = jax.ops.segment_sum(ex, dst, num_segments=N)
    alpha = ex / (denom[dst] + 1e-16)
    msg = (alpha[..., None] * vh).reshape(-1, D_OUT)
    aggr = jax.ops.segment_sum(msg, dst, num_segments=N)
    out = _residual_stack(jnp.maximum(aggr, 0.0), o_W0, o_b0, o_W1, o_b1, True)
    return out

if __name__ == "__main__":
    import jax
    _d = setup_inputs()
    print(jax.jit(kernel)(*tuple(_d.values())))

</pallas_src>

<mosaic_0001>
#map = affine_map<(d0, d1) -> (0, 0)>
#map1 = affine_map<(d0, d1) -> (0)>
module attributes {stable_mosaic.version = 14 : i64} {
  func.func @_gather_body(%arg0: i32, %arg1: i32, %arg2: memref<10000x128xf32, #tpu.memory_space<hbm>>, %arg3: memref<10000x128xf32, #tpu.memory_space<hbm>>, %arg4: memref<320000xi32, #tpu.memory_space<hbm>>, %arg5: memref<320000xi32, #tpu.memory_space<hbm>>, %arg6: memref<320000x128xf32, #tpu.memory_space<hbm>>, %arg7: memref<320000x128xf32, #tpu.memory_space<hbm>>, %arg8: memref<80xi32, #tpu.memory_space<vmem>>, %arg9: memref<80xi32, #tpu.memory_space<vmem>>, %arg10: memref<80x128xf32, #tpu.memory_space<vmem>>, %arg11: memref<80x128xf32, #tpu.memory_space<vmem>>, %arg12: memref<!tpu.dma_semaphore, #tpu.memory_space<semaphore_mem>>, %arg13: memref<!tpu.dma_semaphore, #tpu.memory_space<semaphore_mem>>) attributes {dimension_semantics = [#tpu.dimension_semantics<core_parallel>, #tpu.dimension_semantics<subcore_parallel>], iteration_bounds = array<i64: 2, 16>, scalar_prefetch = 0 : i64, scratch_operands = 6 : i64, tpu.core_type = #tpu.core_type<sc_vector_subcore>, window_params = [{transform_indices = #map}, {transform_indices = #map}, {transform_indices = #map1}, {transform_indices = #map1}, {transform_indices = #map}, {transform_indices = #map}]} {
    %mul3A = arith.constant 2 : i32
    %mul3A_0 = arith.muli %arg1, %mul3A : i32
    %add3A = arith.addi %mul3A_0, %arg0 : i32
    %mul3A_1 = arith.constant 10000 : i32
    %mul3A_2 = arith.muli %add3A, %mul3A_1 : i32
    %scan3A = arith.constant 0 : i32
    %scan3A_3 = arith.constant 0 : i32
    %scan3A_4 = arith.constant 125 : i32
    %scan3A_5 = arith.addi %scan3A_3, %scan3A_4 : i32
    %scan3A_6 = arith.constant 1 : i32
    scf.for %scan3A_8 = %scan3A_3 to %scan3A_5 step %scan3A_6  : i32 {
      %mul3A_9 = arith.constant 80 : i32
      %mul3A_10 = arith.muli %scan3A_8, %mul3A_9 : i32
      %add3A_11 = arith.addi %mul3A_2, %mul3A_10 : i32
      "tpu.region"() ({
        %run_scoped3A = tpu.sem_alloc : memref<!tpu.dma_semaphore, #tpu.memory_space<semaphore_mem>>
        %dma_start3A_22 = tpu.memref_slice %arg4[%add3A_11] : memref<320000xi32, #tpu.memory_space<hbm>> -> memref<80xi32, #tpu.memory_space<hbm>>
        %dma_start3A_23 = tpu.memref_slice %arg4[%add3A_11] : memref<320000xi32, #tpu.memory_space<hbm>> -> memref<80xi32, #tpu.memory_space<hbm>>
        tpu.enqueue_dma source(%dma_start3A_23 : memref<80xi32, #tpu.memory_space<hbm>>) target(%arg8 : memref<80xi32, #tpu.memory_space<vmem>>) target_semaphore(%run_scoped3A : memref<!tpu.dma_semaphore, #tpu.memory_space<semaphore_mem>>)
        %dma_wait3A_24 = tpu.memref_slice %arg4[%add3A_11] : memref<320000xi32, #tpu.memory_space<hbm>> -> memref<80xi32, #tpu.memory_space<hbm>>
        %dma_wait3A_25 = tpu.memref_slice %arg4[%add3A_11] : memref<320000xi32, #tpu.memory_space<hbm>> -> memref<80xi32, #tpu.memory_space<hbm>>
        tpu.wait_dma2 semaphore(%run_scoped3A : memref<!tpu.dma_semaphore, #tpu.memory_space<semaphore_mem>>) src(%dma_wait3A_25 : memref<80xi32, #tpu.memory_space<hbm>>) dst(%arg8 : memref<80xi32, #tpu.memory_space<vmem>>)
        tpu.yield
      }) : () -> ()
      "tpu.region"() ({
        %run_scoped3A = tpu.sem_alloc : memref<!tpu.dma_semaphore, #tpu.memory_space<semaphore_mem>>
        %dma_start3A_22 = tpu.memref_slice %arg5[%add3A_11] : memref<320000xi32, #tpu.memory_space<hbm>> -> memref<80xi32, #tpu.memory_space<hbm>>
        %dma_start3A_23 = tpu.memref_slice %arg5[%add3A_11] : memref<320000xi32, #tpu.memory_space<hbm>> -> memref<80xi32, #tpu.memory_space<hbm>>
        tpu.enqueue_dma source(%dma_start3A_23 : memref<80xi32, #tpu.memory_space<hbm>>) target(%arg9 : memref<80xi32, #tpu.memory_space<vmem>>) target_semaphore(%run_scoped3A : memref<!tpu.dma_semaphore, #tpu.memory_space<semaphore_mem>>)
        %dma_wait3A_24 = tpu.memref_slice %arg5[%add3A_11] : memref<320000xi32, #tpu.memory_space<hbm>> -> memref<80xi32, #tpu.memory_space<hbm>>
        %dma_wait3A_25 = tpu.memref_slice %arg5[%add3A_11] : memref<320000xi32, #tpu.memory_space<hbm>> -> memref<80xi32, #tpu.memory_space<hbm>>
        tpu.wait_dma2 semaphore(%run_scoped3A : memref<!tpu.dma_semaphore, #tpu.memory_space<semaphore_mem>>) src(%dma_wait3A_25 : memref<80xi32, #tpu.memory_space<hbm>>) dst(%arg9 : memref<80xi32, #tpu.memory_space<vmem>>)
        tpu.yield
      }) : () -> ()
      %dma_start3A = arith.constant 0 : i32
      %dma_start3A_12 = arith.constant 0 : i32
      %dma_start3A_13 = tpu.memref_slice %arg2[%dma_start3A, %dma_start3A_12] : memref<10000x128xf32, #tpu.memory_space<hbm>> -> memref<10000x128xf32, #tpu.memory_space<hbm>>
      tpu.enqueue_indirect_dma source(%dma_start3A_13 : memref<10000x128xf32, #tpu.memory_space<hbm>>) target(%arg10 : memref<80x128xf32, #tpu.memory_space<vmem>>) offsets(%arg8 : memref<80xi32, #tpu.memory_space<vmem>>) semaphore(%arg12 : memref<!tpu.dma_semaphore, #tpu.memory_space<semaphore_mem>>)
      %dma_start3A_14 = arith.constant 0 : i32
      %dma_start3A_15 = arith.constant 0 : i32
      %dma_start3A_16 = tpu.memref_slice %arg3[%dma_start3A_14, %dma_start3A_15] : memref<10000x128xf32, #tpu.memory_space<hbm>> -> memref<10000x128xf32, #tpu.memory_space<hbm>>
      tpu.enqueue_indirect_dma source(%dma_start3A_16 : memref<10000x128xf32, #tpu.memory_space<hbm>>) target(%arg11 : memref<80x128xf32, #tpu.memory_space<vmem>>) offsets(%arg9 : memref<80xi32, #tpu.memory_space<vmem>>) semaphore(%arg13 : memref<!tpu.dma_semaphore, #tpu.memory_space<semaphore_mem>>)
      %dma_wait3A = arith.constant 0 : i32
      %dma_wait3A_17 = arith.constant 0 : i32
      %dma_wait3A_18 = tpu.memref_slice %arg2[%dma_wait3A, %dma_wait3A_17] : memref<10000x128xf32, #tpu.memory_space<hbm>> -> memref<10000x128xf32, #tpu.memory_space<hbm>>
      tpu.wait_indirect_dma semaphore(%arg12 : memref<!tpu.dma_semaphore, #tpu.memory_space<semaphore_mem>>) src(%dma_wait3A_18 : memref<10000x128xf32, #tpu.memory_space<hbm>>) dst(%arg10 : memref<80x128xf32, #tpu.memory_space<vmem>>)
      %dma_wait3A_19 = arith.constant 0 : i32
      %dma_wait3A_20 = arith.constant 0 : i32
      %dma_wait3A_21 = tpu.memref_slice %arg3[%dma_wait3A_19, %dma_wait3A_20] : memref<10000x128xf32, #tpu.memory_space<hbm>> -> memref<10000x128xf32, #tpu.memory_space<hbm>>
      tpu.wait_indirect_dma semaphore(%arg13 : memref<!tpu.dma_semaphore, #tpu.memory_space<semaphore_mem>>) src(%dma_wait3A_21 : memref<10000x128xf32, #tpu.memory_space<hbm>>) dst(%arg11 : memref<80x128xf32, #tpu.memory_space<vmem>>)
      "tpu.region"() ({
        %run_scoped3A = tpu.sem_alloc : memref<!tpu.dma_semaphore, #tpu.memory_space<semaphore_mem>>
        %dma_start3A_22 = arith.constant 0 : i32
        %dma_start3A_23 = tpu.memref_slice %arg6[%add3A_11, %dma_start3A_22] : memref<320000x128xf32, #tpu.memory_space<hbm>> -> memref<80x128xf32, #tpu.memory_space<hbm>>
        %dma_start3A_24 = arith.constant 0 : i32
        %dma_start3A_25 = tpu.memref_slice %arg6[%add3A_11, %dma_start3A_24] : memref<320000x128xf32, #tpu.memory_space<hbm>> -> memref<80x128xf32, #tpu.memory_space<hbm>>
        tpu.enqueue_dma source(%arg10 : memref<80x128xf32, #tpu.memory_space<vmem>>) target(%dma_start3A_25 : memref<80x128xf32, #tpu.memory_space<hbm>>) target_semaphore(%run_scoped3A : memref<!tpu.dma_semaphore, #tpu.memory_space<semaphore_mem>>)
        %dma_wait3A_26 = arith.constant 0 : i32
        %dma_wait3A_27 = tpu.memref_slice %arg6[%add3A_11, %dma_wait3A_26] : memref<320000x128xf32, #tpu.memory_space<hbm>> -> memref<80x128xf32, #tpu.memory_space<hbm>>
        %dma_wait3A_28 = arith.constant 0 : i32
        %dma_wait3A_29 = tpu.memref_slice %arg6[%add3A_11, %dma_wait3A_28] : memref<320000x128xf32, #tpu.memory_space<hbm>> -> memref<80x128xf32, #tpu.memory_space<hbm>>
        tpu.wait_dma2 semaphore(%run_scoped3A : memref<!tpu.dma_semaphore, #tpu.memory_space<semaphore_mem>>) src(%arg10 : memref<80x128xf32, #tpu.memory_space<vmem>>) dst(%dma_wait3A_29 : memref<80x128xf32, #tpu.memory_space<hbm>>)
        tpu.yield
      }) : () -> ()
      "tpu.region"() ({
        %run_scoped3A = tpu.sem_alloc : memref<!tpu.dma_semaphore, #tpu.memory_space<semaphore_mem>>
        %dma_start3A_22 = arith.constant 0 : i32
        %dma_start3A_23 = tpu.memref_slice %arg7[%add3A_11, %dma_start3A_22] : memref<320000x128xf32, #tpu.memory_space<hbm>> -> memref<80x128xf32, #tpu.memory_space<hbm>>
        %dma_start3A_24 = arith.constant 0 : i32
        %dma_start3A_25 = tpu.memref_slice %arg7[%add3A_11, %dma_start3A_24] : memref<320000x128xf32, #tpu.memory_space<hbm>> -> memref<80x128xf32, #tpu.memory_space<hbm>>
        tpu.enqueue_dma source(%arg11 : memref<80x128xf32, #tpu.memory_space<vmem>>) target(%dma_start3A_25 : memref<80x128xf32, #tpu.memory_space<hbm>>) target_semaphore(%run_scoped3A : memref<!tpu.dma_semaphore, #tpu.memory_space<semaphore_mem>>)
        %dma_wait3A_26 = arith.constant 0 : i32
        %dma_wait3A_27 = tpu.memref_slice %arg7[%add3A_11, %dma_wait3A_26] : memref<320000x128xf32, #tpu.memory_space<hbm>> -> memref<80x128xf32, #tpu.memory_space<hbm>>
        %dma_wait3A_28 = arith.constant 0 : i32
        %dma_wait3A_29 = tpu.memref_slice %arg7[%add3A_11, %dma_wait3A_28] : memref<320000x128xf32, #tpu.memory_space<hbm>> -> memref<80x128xf32, #tpu.memory_space<hbm>>
        tpu.wait_dma2 semaphore(%run_scoped3A : memref<!tpu.dma_semaphore, #tpu.memory_space<semaphore_mem>>) src(%arg11 : memref<80x128xf32, #tpu.memory_space<vmem>>) dst(%dma_wait3A_29 : memref<80x128xf32, #tpu.memory_space<hbm>>)
        tpu.yield
      }) : () -> ()
    }
    %scan3A_7 = arith.constant 125 : i32
    return
  }
}

module attributes {stable_mosaic.version = 14 : i64} {
  func.func @_edge_block(%arg0: i32, %arg1: memref<1000x128xf32, #tpu.memory_space<vmem>>, %arg2: memref<1000x128xf32, #tpu.memory_space<vmem>>, %arg3: memref<1000x16xf32, #tpu.memory_space<vmem>>, %arg4: memref<128x256xf32, #tpu.memory_space<vmem>>, %arg5: memref<128x256xf32, #tpu.memory_space<vmem>>, %arg6: memref<16x256xf32, #tpu.memory_space<vmem>>, %arg7: memref<1x256xf32, #tpu.memory_space<vmem>>, %arg8: memref<128x16xf32, #tpu.memory_space<vmem>>, %arg9: memref<1x16xf32, #tpu.memory_space<vmem>>, %arg10: memref<128x128xf32, #tpu.memory_space<vmem>>, %arg11: memref<1x128xf32, #tpu.memory_space<vmem>>, %arg12: memref<16x128xf32, #tpu.memory_space<vmem>>, %arg13: memref<1000x128xf32, #tpu.memory_space<vmem>>, %arg14: memref<1000x16xf32, #tpu.memory_space<vmem>>) attributes {dimension_semantics = [#tpu.dimension_semantics<arbitrary>], iteration_bounds = array<i64: 320>, scalar_prefetch = 0 : i64, scratch_operands = 0 : i64, tpu.core_type = #tpu.core_type<tc>, window_params = [{transform_indices = @transform_0, window_bounds = array<i64: 1000, 128>}, {transform_indices = @transform_1, window_bounds = array<i64: 1000, 128>}, {transform_indices = @transform_2, window_bounds = array<i64: 1000, 16>}, {pipeline_mode = #tpu.pipeline_mode<synchronous>, transform_indices = @transform_3, window_bounds = array<i64: 128, 256>}, {pipeline_mode = #tpu.pipeline_mode<synchronous>, transform_indices = @transform_4, window_bounds = array<i64: 128, 256>}, {pipeline_mode = #tpu.pipeline_mode<synchronous>, transform_indices = @transform_5, window_bounds = array<i64: 16, 256>}, {pipeline_mode = #tpu.pipeline_mode<synchronous>, transform_indices = @transform_6, window_bounds = array<i64: 1, 256>}, {pipeline_mode = #tpu.pipeline_mode<synchronous>, transform_indices = @transform_7, window_bounds = array<i64: 128, 16>}, {pipeline_mode = #tpu.pipeline_mode<synchronous>, transform_indices = @transform_8, window_bounds = array<i64: 1, 16>}, {pipeline_mode = #tpu.pipeline_mode<synchronous>, transform_indices = @transform_9, window_bounds = array<i64: 128, 128>}, {pipeline_mode = #tpu.pipeline_mode<synchronous>, transform_indices = @transform_10, window_bounds = array<i64: 1, 128>}, {pipeline_mode = #tpu.pipeline_mode<synchronous>, transform_indices = @transform_11, window_bounds = array<i64: 16, 128>}, {transform_indices = @transform_12, window_bounds = array<i64: 1000, 128>}, {transform_indices = @transform_13, window_bounds = array<i64: 1000, 16>}]} {
    %get3A = arith.constant 0 : index
    %get3A_0 = arith.constant 0 : index
    %get3A_1 = vector.load %arg1[%get3A, %get3A_0] : memref<1000x128xf32, #tpu.memory_space<vmem>>, vector<1000x128xf32>
    %get3A_2 = arith.constant 0 : index
    %get3A_3 = arith.constant 0 : index
    %get3A_4 = vector.load %arg4[%get3A_2, %get3A_3] : memref<128x256xf32, #tpu.memory_space<vmem>>, vector<128x256xf32>
    %dot_general3A = arith.constant dense<0.000000e+00> : vector<1000x256xf32>
    %dot_general3A_5 = tpu.matmul %get3A_1, %get3A_4, %dot_general3A {dimension_numbers = #tpu.dot_dimension_numbers<[1], [0], [0], [1], [0, 0, 1, 1], [], []>, transpose_lhs_hint = false} : vector<1000x128xf32>, vector<128x256xf32>, vector<1000x256xf32> -> vector<1000x256xf32>
    %get3A_6 = arith.constant 0 : index
    %get3A_7 = arith.constant 0 : index
    %get3A_8 = vector.load %arg2[%get3A_6, %get3A_7] : memref<1000x128xf32, #tpu.memory_space<vmem>>, vector<1000x128xf32>
    %get3A_9 = arith.constant 0 : index
    %get3A_10 = arith.constant 0 : index
    %get3A_11 = vector.load %arg5[%get3A_9, %get3A_10] : memref<128x256xf32, #tpu.memory_space<vmem>>, vector<128x256xf32>
    %dot_general3A_12 = arith.constant dense<0.000000e+00> : vector<1000x256xf32>
    %dot_general3A_13 = tpu.matmul %get3A_8, %get3A_11, %dot_general3A_12 {dimension_numbers = #tpu.dot_dimension_numbers<[1], [0], [0], [1], [0, 0, 1, 1], [], []>, transpose_lhs_hint = false} : vector<1000x128xf32>, vector<128x256xf32>, vector<1000x256xf32> -> vector<1000x256xf32>
    %add3A = arith.addf %dot_general3A_5, %dot_general3A_13 : vector<1000x256xf32>
    %get3A_14 = arith.constant 0 : index
    %get3A_15 = arith.constant 0 : index
    %get3A_16 = vector.load %arg3[%get3A_14, %get3A_15] : memref<1000x16xf32, #tpu.memory_space<vmem>>, vector<1000x16xf32>
    %get3A_17 = arith.constant 0 : index
    %get3A_18 = arith.constant 0 : index
    %get3A_19 = vector.load %arg6[%get3A_17, %get3A_18] : memref<16x256xf32, #tpu.memory_space<vmem>>, vector<16x256xf32>
    %dot_general3A_20 = arith.constant dense<0.000000e+00> : vector<1000x256xf32>
    %dot_general3A_21 = tpu.matmul %get3A_16, %get3A_19, %dot_general3A_20 {dimension_numbers = #tpu.dot_dimension_numbers<[1], [0], [0], [1], [0, 0, 1, 1], [], []>, transpose_lhs_hint = false} : vector<1000x16xf32>, vector<16x256xf32>, vector<1000x256xf32> -> vector<1000x256xf32>
    %add3A_22 = arith.addf %add3A, %dot_general3A_21 : vector<1000x256xf32>
    %get3A_23 = arith.constant 0 : index
    %get3A_24 = arith.constant 0 : index
    %get3A_25 = vector.load %arg7[%get3A_23, %get3A_24] : memref<1x256xf32, #tpu.memory_space<vmem>>, vector<1x256xf32>
    %add3A_26 = vector.broadcast %get3A_25 : vector<1x256xf32> to vector<1000x256xf32>
    %add3A_27 = arith.addf %add3A_22, %add3A_26 : vector<1000x256xf32>
    %max3A = arith.constant 0.000000e+00 : f32
    %max3A_28 = vector.broadcast %max3A : f32 to vector<1000x256xf32>
    %max3A_29 = arith.maximumf %add3A_27, %max3A_28 : vector<1000x256xf32>
    %slice3A = vector.extract_strided_slice %max3A_29 {offsets = [0, 0], sizes = [1000, 128], strides = [1, 1]} : vector<1000x256xf32> to vector<1000x128xf32>
    %get3A_30 = arith.constant 0 : index
    %get3A_31 = arith.constant 0 : index
    %get3A_32 = vector.load %arg8[%get3A_30, %get3A_31] : memref<128x16xf32, #tpu.memory_space<vmem>>, vector<128x16xf32>
    %dot_general3A_33 = arith.constant dense<0.000000e+00> : vector<1000x16xf32>
    %dot_general3A_34 = tpu.matmul %slice3A, %get3A_32, %dot_general3A_33 {dimension_numbers = #tpu.dot_dimension_numbers<[1], [0], [0], [1], [0, 0, 1, 1], [], []>, transpose_lhs_hint = false} : vector<1000x128xf32>, vector<128x16xf32>, vector<1000x16xf32> -> vector<1000x16xf32>
    %get3A_35 = arith.constant 0 : index
    %get3A_36 = arith.constant 0 : index
    %get3A_37 = vector.load %arg9[%get3A_35, %get3A_36] : memref<1x16xf32, #tpu.memory_space<vmem>>, vector<1x16xf32>
    %add3A_38 = vector.broadcast %get3A_37 : vector<1x16xf32> to vector<1000x16xf32>
    %add3A_39 = arith.addf %dot_general3A_34, %add3A_38 : vector<1000x16xf32>
    %jit3A = arith.constant -7.500000e+01 : f32
    %jit3A_40 = arith.constant 7.500000e+01 : f32
    %max3A_41 = vector.broadcast %jit3A : f32 to vector<1000x16xf32>
    %max3A_42 = arith.maximumf %max3A_41, %add3A_39 : vector<1000x16xf32>
    %min3A = vector.broadcast %jit3A_40 : f32 to vector<1000x16xf32>
    %min3A_43 = arith.minimumf %min3A, %max3A_42 : vector<1000x16xf32>
    %exp3A = math.exp %min3A_43 : vector<1000x16xf32>
    %slice3A_44 = vector.extract_strided_slice %max3A_29 {offsets = [0, 128], sizes = [1000, 128], strides = [1, 1]} : vector<1000x256xf32> to vector<1000x128xf32>
    %get3A_45 = arith.constant 0 : index
    %get3A_46 = arith.constant 0 : index
    %get3A_47 = vector.load %arg10[%get3A_45, %get3A_46] : memref<128x128xf32, #tpu.memory_space<vmem>>, vector<128x128xf32>
    %dot_general3A_48 = arith.constant dense<0.000000e+00> : vector<1000x128xf32>
    %dot_general3A_49 = tpu.matmul %slice3A_44, %get3A_47, %dot_general3A_48 {dimension_numbers = #tpu.dot_dimension_numbers<[1], [0], [0], [1], [0, 0, 1, 1], [], []>, transpose_lhs_hint = false} : vector<1000x128xf32>, vector<128x128xf32>, vector<1000x128xf32> -> vector<1000x128xf32>
    %get3A_50 = arith.constant 0 : index
    %get3A_51 = arith.constant 0 : index
    %get3A_52 = vector.load %arg11[%get3A_50, %get3A_51] : memref<1x128xf32, #tpu.memory_space<vmem>>, vector<1x128xf32>
    %add3A_53 = vector.broadcast %get3A_52 : vector<1x128xf32> to vector<1000x128xf32>
    %add3A_54 = arith.addf %dot_general3A_49, %add3A_53 : vector<1000x128xf32>
    %get3A_55 = arith.constant 0 : index
    %get3A_56 = arith.constant 0 : index
    %get3A_57 = vector.load %arg12[%get3A_55, %get3A_56] : memref<16x128xf32, #tpu.memory_space<vmem>>, vector<16x128xf32>
    %dot_general3A_58 = arith.constant dense<0.000000e+00> : vector<1000x128xf32>
    %dot_general3A_59 = tpu.matmul %exp3A, %get3A_57, %dot_general3A_58 {dimension_numbers = #tpu.dot_dimension_numbers<[1], [0], [0], [1], [0, 0, 1, 1], [], []>, transpose_lhs_hint = false} : vector<1000x16xf32>, vector<16x128xf32>, vector<1000x128xf32> -> vector<1000x128xf32>
    %mul3A = arith.mulf %dot_general3A_59, %add3A_54 : vector<1000x128xf32>
    %swap3A = arith.constant 0 : index
    %swap3A_60 = arith.constant 0 : index
    %swap3A_61 = vector.load %arg13[%swap3A, %swap3A_60] : memref<1000x128xf32, #tpu.memory_space<vmem>>, vector<1000x128xf32>
    tpu.vector_store %arg13[%swap3A, %swap3A_60], %mul3A {strides = array<i32>} : memref<1000x128xf32, #tpu.memory_space<vmem>>, vector<1000x128xf32>,
    %swap3A_62 = arith.constant 0 : index
    %swap3A_63 = arith.constant 0 : index
    %swap3A_64 = vector.load %arg14[%swap3A_62, %swap3A_63] : memref<1000x16xf32, #tpu.memory_space<vmem>>, vector<1000x16xf32>
    tpu.vector_store %arg14[%swap3A_62, %swap3A_63], %exp3A {strides = array<i32>} : memref<1000x16xf32, #tpu.memory_space<vmem>>, vector<1000x16xf32>,
    return
  }
  func.func @transform_0(%arg0: i32) -> (i32, i32) {
    %c0_i32 = arith.constant 0 : i32
    %c0_i32_0 = arith.constant 0 : i32
    return %arg0, %c0_i32 : i32, i32
  }
  func.func @transform_1(%arg0: i32) -> (i32, i32) {
    %c0_i32 = arith.constant 0 : i32
    %c0_i32_0 = arith.constant 0 : i32
    return %arg0, %c0_i32 : i32, i32
  }
  func.func @transform_2(%arg0: i32) -> (i32, i32) {
    %c0_i32 = arith.constant 0 : i32
    %c0_i32_0 = arith.constant 0 : i32
    return %arg0, %c0_i32 : i32, i32
  }
  func.func @transform_3(%arg0: i32) -> (i32, i32) {
    %c0_i32 = arith.constant 0 : i32
    %c0_i32_0 = arith.constant 0 : i32
    %c0_i32_1 = arith.constant 0 : i32
    return %c0_i32, %c0_i32_0 : i32, i32
  }
  func.func @transform_4(%arg0: i32) -> (i32, i32) {
    %c0_i32 = arith.constant 0 : i32
    %c0_i32_0 = arith.constant 0 : i32
    %c0_i32_1 = arith.constant 0 : i32
    return %c0_i32, %c0_i32_0 : i32, i32
  }
  func.func @transform_5(%arg0: i32) -> (i32, i32) {
    %c0_i32 = arith.constant 0 : i32
    %c0_i32_0 = arith.constant 0 : i32
    %c0_i32_1 = arith.constant 0 : i32
    return %c0_i32, %c0_i32_0 : i32, i32
  }
  func.func @transform_6(%arg0: i32) -> (i32, i32) {
    %c0_i32 = arith.constant 0 : i32
    %c0_i32_0 = arith.constant 0 : i32
    %c0_i32_1 = arith.constant 0 : i32
    return %c0_i32, %c0_i32_0 : i32, i32
  }
  func.func @transform_7(%arg0: i32) -> (i32, i32) {
    %c0_i32 = arith.constant 0 : i32
    %c0_i32_0 = arith.constant 0 : i32
    %c0_i32_1 = arith.constant 0 : i32
    return %c0_i32, %c0_i32_0 : i32, i32
  }
  func.func @transform_8(%arg0: i32) -> (i32, i32) {
    %c0_i32 = arith.constant 0 : i32
    %c0_i32_0 = arith.constant 0 : i32
    %c0_i32_1 = arith.constant 0 : i32
    return %c0_i32, %c0_i32_0 : i32, i32
  }
  func.func @transform_9(%arg0: i32) -> (i32, i32) {
    %c0_i32 = arith.constant 0 : i32
    %c0_i32_0 = arith.constant 0 : i32
    %c0_i32_1 = arith.constant 0 : i32
    return %c0_i32, %c0_i32_0 : i32, i32
  }
  func.func @transform_10(%arg0: i32) -> (i32, i32) {
    %c0_i32 = arith.constant 0 : i32
    %c0_i32_0 = arith.constant 0 : i32
    %c0_i32_1 = arith.constant 0 : i32
    return %c0_i32, %c0_i32_0 : i32, i32
  }
  func.func @transform_11(%arg0: i32) -> (i32, i32) {
    %c0_i32 = arith.constant 0 : i32
    %c0_i32_0 = arith.constant 0 : i32
    %c0_i32_1 = arith.constant 0 : i32
    return %c0_i32, %c0_i32_0 : i32, i32
  }
  func.func @transform_12(%arg0: i32) -> (i32, i32) {
    %c0_i32 = arith.constant 0 : i32
    %c0_i32_0 = arith.constant 0 : i32
    return %arg0, %c0_i32 : i32, i32
  }
  func.func @transform_13(%arg0: i32) -> (i32, i32) {
    %c0_i32 = arith.constant 0 : i32
    %c0_i32_0 = arith.constant 0 : i32
    return %arg0, %c0_i32 : i32, i32
  }
}

module attributes {stable_mosaic.version = 14 : i64} {
  func.func @_scatter_block(%arg0: i32, %arg1: memref<1x1x2000xi32, #tpu.memory_space<vmem>>, %arg2: memref<2000x128xf32, #tpu.memory_space<vmem>>, %arg3: memref<2000x16xf32, #tpu.memory_space<vmem>>, %arg4: memref<10000x128xf32, #tpu.memory_space<vmem>>, %arg5: memref<10000x16xf32, #tpu.memory_space<vmem>>) attributes {dimension_semantics = [#tpu.dimension_semantics<arbitrary>], iteration_bounds = array<i64: 160>, scalar_prefetch = 0 : i64, scratch_operands = 0 : i64, tpu.core_type = #tpu.core_type<tc>, window_params = [{transform_indices = @transform_0, window_bounds = array<i64: 1, 1, 2000>}, {transform_indices = @transform_1, window_bounds = array<i64: 2000, 128>}, {transform_indices = @transform_2, window_bounds = array<i64: 2000, 16>}, {pipeline_mode = #tpu.pipeline_mode<synchronous>, transform_indices = @transform_3, window_bounds = array<i64: 10000, 128>}, {pipeline_mode = #tpu.pipeline_mode<synchronous>, transform_indices = @transform_4, window_bounds = array<i64: 10000, 16>}]} {
    %eq3A = arith.constant 0 : i32
    %eq3A_0 = arith.cmpi eq, %arg0, %eq3A : i32
    %convert_element_type3A = arith.extui %eq3A_0 : i1 to i32
    %cond3A = arith.constant 0 : i32
    %cond3A_1 = arith.cmpi ne, %convert_element_type3A, %cond3A : i32
    scf.if %cond3A_1 {
      %broadcast_in_dim3A = arith.constant 0.000000e+00 : f32
      %broadcast_in_dim3A_270 = vector.broadcast %broadcast_in_dim3A : f32 to vector<10000x128xf32>
      %swap3A_271 = arith.constant 0 : index
      %swap3A_272 = arith.constant 0 : index
      %swap3A_273 = vector.load %arg4[%swap3A_271, %swap3A_272] : memref<10000x128xf32, #tpu.memory_space<vmem>>, vector<10000x128xf32>
      tpu.vector_store %arg4[%swap3A_271, %swap3A_272], %broadcast_in_dim3A_270 {strides = array<i32>} : memref<10000x128xf32, #tpu.memory_space<vmem>>, vector<10000x128xf32>,
      %broadcast_in_dim3A_274 = arith.constant 0.000000e+00 : f32
      %broadcast_in_dim3A_275 = vector.broadcast %broadcast_in_dim3A_274 : f32 to vector<10000x16xf32>
      %swap3A_276 = arith.constant 0 : index
      %swap3A_277 = arith.constant 0 : index
      %swap3A_278 = vector.load %arg5[%swap3A_276, %swap3A_277] : memref<10000x16xf32, #tpu.memory_space<vmem>>, vector<10000x16xf32>
      tpu.vector_store %arg5[%swap3A_276, %swap3A_277], %broadcast_in_dim3A_275 {strides = array<i32>} : memref<10000x16xf32, #tpu.memory_space<vmem>>, vector<10000x16xf32>,
    } else {
    }
    %get3A = arith.constant 0 : index
    %get3A_2 = arith.constant 0 : index
    %get3A_3 = arith.constant 0 : index
    %get3A_4 = vector.load %arg1[%get3A, %get3A_2, %get3A_3] : memref<1x1x2000xi32, #tpu.memory_space<vmem>>, vector<1x1x2000xi32>
    %reshape3A = vector.shape_cast %get3A_4 : vector<1x1x2000xi32> to vector<1x2000xi32>
    %get3A_5 = arith.constant 0 : index
    %get3A_6 = arith.constant 0 : index
    %get3A_7 = vector.load %arg2[%get3A_5, %get3A_6] : memref<2000x128xf32, #tpu.memory_space<vmem>>, vector<2000x128xf32>
    %convert_element_type3A_8 = arith.truncf %get3A_7 : vector<2000x128xf32> to vector<2000x128xbf16>
    %get3A_9 = arith.constant 0 : index
    %get3A_10 = arith.constant 0 : index
    %get3A_11 = vector.load %arg3[%get3A_9, %get3A_10] : memref<2000x16xf32, #tpu.memory_space<vmem>>, vector<2000x16xf32>
    %convert_element_type3A_12 = arith.truncf %get3A_11 : vector<2000x16xf32> to vector<2000x16xbf16>
    %iota3A = tpu.iota {dimensions = array<i32: 0>} : vector<1000x2000xi32>
    %add3A = arith.constant 0 : i32
    %add3A_13 = vector.broadcast %add3A : i32 to vector<1000x2000xi32>
    %add3A_14 = arith.addi %iota3A, %add3A_13 : vector<1000x2000xi32>
    %eq3A_15 = vector.broadcast %reshape3A : vector<1x2000xi32> to vector<1000x2000xi32>
    %eq3A_16 = arith.cmpi eq, %add3A_14, %eq3A_15 : vector<1000x2000xi32>
    %convert_element_type3A_17 = arith.extui %eq3A_16 : vector<1000x2000xi1> to vector<1000x2000xi32>
    %convert_element_type3A_18 = arith.sitofp %convert_element_type3A_17 : vector<1000x2000xi32> to vector<1000x2000xf32>
    %convert_element_type3A_19 = arith.truncf %convert_element_type3A_18 : vector<1000x2000xf32> to vector<1000x2000xbf16>
    %get3A_20 = arith.constant 0 : index
    %get3A_21 = arith.constant 0 : index
    %get3A_22 = vector.load %arg4[%get3A_20, %get3A_21] : memref<10000x128xf32, #tpu.memory_space<vmem>>, vector<1000x128xf32>
    %dot_general3A = arith.constant dense<0.000000e+00> : vector<1000x128xf32>
    %dot_general3A_23 = tpu.matmul %convert_element_type3A_19, %convert_element_type3A_8, %dot_general3A {dimension_numbers = #tpu.dot_dimension_numbers<[1], [0], [0], [1], [0, 0, 1, 1], [], []>, transpose_lhs_hint = false} : vector<1000x2000xbf16>, vector<2000x128xbf16>, vector<1000x128xf32> -> vector<1000x128xf32>
    %add3A_24 = arith.addf %get3A_22, %dot_general3A_23 : vector<1000x128xf32>
    %swap3A = arith.constant 0 : index
    %swap3A_25 = arith.constant 0 : index
    %swap3A_26 = vector.load %arg4[%swap3A, %swap3A_25] : memref<10000x128xf32, #tpu.memory_space<vmem>>, vector<1000x128xf32>
    tpu.vector_store %arg4[%swap3A, %swap3A_25], %add3A_24 {strides = array<i32>} : memref<10000x128xf32, #tpu.memory_space<vmem>>, vector<1000x128xf32>,
    %get3A_27 = arith.constant 0 : index
    %get3A_28 = arith.constant 0 : index
    %get3A_29 = vector.load %arg5[%get3A_27, %get3A_28] : memref<10000x16xf32, #tpu.memory_space<vmem>>, vector<1000x16xf32>
    %dot_general3A_30 = arith.constant dense<0.000000e+00> : vector<1000x16xf32>
    %dot_general3A_31 = tpu.matmul %convert_element_type3A_19, %convert_element_type3A_12, %dot_general3A_30 {dimension_numbers = #tpu.dot_dimension_numbers<[1], [0], [0], [1], [0, 0, 1, 1], [], []>, transpose_lhs_hint = false} : vector<1000x2000xbf16>, vector<2000x16xbf16>, vector<1000x16xf32> -> vector<1000x16xf32>
    %add3A_32 = arith.addf %get3A_29, %dot_general3A_31 : vector<1000x16xf32>
    %swap3A_33 = arith.constant 0 : index
    %swap3A_34 = arith.constant 0 : index
    %swap3A_35 = vector.load %arg5[%swap3A_33, %swap3A_34] : memref<10000x16xf32, #tpu.memory_space<vmem>>, vector<1000x16xf32>
    tpu.vector_store %arg5[%swap3A_33, %swap3A_34], %add3A_32 {strides = array<i32>} : memref<10000x16xf32, #tpu.memory_space<vmem>>, vector<1000x16xf32>,
    %add3A_36 = arith.constant 1000 : i32
    %add3A_37 = vector.broadcast %add3A_36 : i32 to vector<1000x2000xi32>
    %add3A_38 = arith.addi %iota3A, %add3A_37 : vector<1000x2000xi32>
    %eq3A_39 = vector.broadcast %reshape3A : vector<1x2000xi32> to vector<1000x2000xi32>
    %eq3A_40 = arith.cmpi eq, %add3A_38, %eq3A_39 : vector<1000x2000xi32>
    %convert_element_type3A_41 = arith.extui %eq3A_40 : vector<1000x2000xi1> to vector<1000x2000xi32>
    %convert_element_type3A_42 = arith.sitofp %convert_element_type3A_41 : vector<1000x2000xi32> to vector<1000x2000xf32>
    %convert_element_type3A_43 = arith.truncf %convert_element_type3A_42 : vector<1000x2000xf32> to vector<1000x2000xbf16>
    %get3A_44 = arith.constant 1000 : index
    %get3A_45 = arith.constant 0 : index
    %get3A_46 = vector.load %arg4[%get3A_44, %get3A_45] : memref<10000x128xf32, #tpu.memory_space<vmem>>, vector<1000x128xf32>
    %dot_general3A_47 = arith.constant dense<0.000000e+00> : vector<1000x128xf32>
    %dot_general3A_48 = tpu.matmul %convert_element_type3A_43, %convert_element_type3A_8, %dot_general3A_47 {dimension_numbers = #tpu.dot_dimension_numbers<[1], [0], [0], [1], [0, 0, 1, 1], [], []>, transpose_lhs_hint = false} : vector<1000x2000xbf16>, vector<2000x128xbf16>, vector<1000x128xf32> -> vector<1000x128xf32>
    %add3A_49 = arith.addf %get3A_46, %dot_general3A_48 : vector<1000x128xf32>
    %swap3A_50 = arith.constant 1000 : index
    %swap3A_51 = arith.constant 0 : index
    %swap3A_52 = vector.load %arg4[%swap3A_50, %swap3A_51] : memref<10000x128xf32, #tpu.memory_space<vmem>>, vector<1000x128xf32>
    tpu.vector_store %arg4[%swap3A_50, %swap3A_51], %add3A_49 {strides = array<i32>} : memref<10000x128xf32, #tpu.memory_space<vmem>>, vector<1000x128xf32>,
    %get3A_53 = arith.constant 1000 : index
    %get3A_54 = arith.constant 0 : index
    %get3A_55 = vector.load %arg5[%get3A_53, %get3A_54] : memref<10000x16xf32, #tpu.memory_space<vmem>>, vector<1000x16xf32>
    %dot_general3A_56 = arith.constant dense<0.000000e+00> : vector<1000x16xf32>
    %dot_general3A_57 = tpu.matmul %convert_element_type3A_43, %convert_element_type3A_12, %dot_general3A_56 {dimension_numbers = #tpu.dot_dimension_numbers<[1], [0], [0], [1], [0, 0, 1, 1], [], []>, transpose_lhs_hint = false} : vector<1000x2000xbf16>, vector<2000x16xbf16>, vector<1000x16xf32> -> vector<1000x16xf32>
    %add3A_58 = arith.addf %get3A_55, %dot_general3A_57 : vector<1000x16xf32>
    %swap3A_59 = arith.constant 1000 : index
    %swap3A_60 = arith.constant 0 : index
    %swap3A_61 = vector.load %arg5[%swap3A_59, %swap3A_60] : memref<10000x16xf32, #tpu.memory_space<vmem>>, vector<1000x16xf32>
    tpu.vector_store %arg5[%swap3A_59, %swap3A_60], %add3A_58 {strides = array<i32>} : memref<10000x16xf32, #tpu.memory_space<vmem>>, vector<1000x16xf32>,
    %add3A_62 = arith.constant 2000 : i32
    %add3A_63 = vector.broadcast %add3A_62 : i32 to vector<1000x2000xi32>
    %add3A_64 = arith.addi %iota3A, %add3A_63 : vector<1000x2000xi32>
    %eq3A_65 = vector.broadcast %reshape3A : vector<1x2000xi32> to vector<1000x2000xi32>
    %eq3A_66 = arith.cmpi eq, %add3A_64, %eq3A_65 : vector<1000x2000xi32>
    %convert_element_type3A_67 = arith.extui %eq3A_66 : vector<1000x2000xi1> to vector<1000x2000xi32>
    %convert_element_type3A_68 = arith.sitofp %convert_element_type3A_67 : vector<1000x2000xi32> to vector<1000x2000xf32>
    %convert_element_type3A_69 = arith.truncf %convert_element_type3A_68 : vector<1000x2000xf32> to vector<1000x2000xbf16>
    %get3A_70 = arith.constant 2000 : index
    %get3A_71 = arith.constant 0 : index
    %get3A_72 = vector.load %arg4[%get3A_70, %get3A_71] : memref<10000x128xf32, #tpu.memory_space<vmem>>, vector<1000x128xf32>
    %dot_general3A_73 = arith.constant dense<0.000000e+00> : vector<1000x128xf32>
    %dot_general3A_74 = tpu.matmul %convert_element_type3A_69, %convert_element_type3A_8, %dot_general3A_73 {dimension_numbers = #tpu.dot_dimension_numbers<[1], [0], [0], [1], [0, 0, 1, 1], [], []>, transpose_lhs_hint = false} : vector<1000x2000xbf16>, vector<2000x128xbf16>, vector<1000x128xf32> -> vector<1000x128xf32>
    %add3A_75 = arith.addf %get3A_72, %dot_general3A_74 : vector<1000x128xf32>
    %swap3A_76 = arith.constant 2000 : index
    %swap3A_77 = arith.constant 0 : index
    %swap3A_78 = vector.load %arg4[%swap3A_76, %swap3A_77] : memref<10000x128xf32, #tpu.memory_space<vmem>>, vector<1000x128xf32>
    tpu.vector_store %arg4[%swap3A_76, %swap3A_77], %add3A_75 {strides = array<i32>} : memref<10000x128xf32, #tpu.memory_space<vmem>>, vector<1000x128xf32>,
    %get3A_79 = arith.constant 2000 : index
    %get3A_80 = arith.constant 0 : index
    %get3A_81 = vector.load %arg5[%get3A_79, %get3A_80] : memref<10000x16xf32, #tpu.memory_space<vmem>>, vector<1000x16xf32>
    %dot_general3A_82 = arith.constant dense<0.000000e+00> : vector<1000x16xf32>
    %dot_general3A_83 = tpu.matmul %convert_element_type3A_69, %convert_element_type3A_12, %dot_general3A_82 {dimension_numbers = #tpu.dot_dimension_numbers<[1], [0], [0], [1], [0, 0, 1, 1], [], []>, transpose_lhs_hint = false} : vector<1000x2000xbf16>, vector<2000x16xbf16>, vector<1000x16xf32> -> vector<1000x16xf32>
    %add3A_84 = arith.addf %get3A_81, %dot_general3A_83 : vector<1000x16xf32>
    %swap3A_85 = arith.constant 2000 : index
    %swap3A_86 = arith.constant 0 : index
    %swap3A_87 = vector.load %arg5[%swap3A_85, %swap3A_86] : memref<10000x16xf32, #tpu.memory_space<vmem>>, vector<1000x16xf32>
    tpu.vector_store %arg5[%swap3A_85, %swap3A_86], %add3A_84 {strides = array<i32>} : memref<10000x16xf32, #tpu.memory_space<vmem>>, vector<1000x16xf32>,
    %add3A_88 = arith.constant 3000 : i32
    %add3A_89 = vector.broadcast %add3A_88 : i32 to vector<1000x2000xi32>
    %add3A_90 = arith.addi %iota3A, %add3A_89 : vector<1000x2000xi32>
    %eq3A_91 = vector.broadcast %reshape3A : vector<1x2000xi32> to vector<1000x2000xi32>
    %eq3A_92 = arith.cmpi eq, %add3A_90, %eq3A_91 : vector<1000x2000xi32>
    %convert_element_type3A_93 = arith.extui %eq3A_92 : vector<1000x2000xi1> to vector<1000x2000xi32>
    %convert_element_type3A_94 = arith.sitofp %convert_element_type3A_93 : vector<1000x2000xi32> to vector<1000x2000xf32>
    %convert_element_type3A_95 = arith.truncf %convert_element_type3A_94 : vector<1000x2000xf32> to vector<1000x2000xbf16>
    %get3A_96 = arith.constant 3000 : index
    %get3A_97 = arith.constant 0 : index
    %get3A_98 = vector.load %arg4[%get3A_96, %get3A_97] : memref<10000x128xf32, #tpu.memory_space<vmem>>, vector<1000x128xf32>
    %dot_general3A_99 = arith.constant dense<0.000000e+00> : vector<1000x128xf32>
    %dot_general3A_100 = tpu.matmul %convert_element_type3A_95, %convert_element_type3A_8, %dot_general3A_99 {dimension_numbers = #tpu.dot_dimension_numbers<[1], [0], [0], [1], [0, 0, 1, 1], [], []>, transpose_lhs_hint = false} : vector<1000x2000xbf16>, vector<2000x128xbf16>, vector<1000x128xf32> -> vector<1000x128xf32>
    %add3A_101 = arith.addf %get3A_98, %dot_general3A_100 : vector<1000x128xf32>
    %swap3A_102 = arith.constant 3000 : index
    %swap3A_103 = arith.constant 0 : index
    %swap3A_104 = vector.load %arg4[%swap3A_102, %swap3A_103] : memref<10000x128xf32, #tpu.memory_space<vmem>>, vector<1000x128xf32>
    tpu.vector_store %arg4[%swap3A_102, %swap3A_103], %add3A_101 {strides = array<i32>} : memref<10000x128xf32, #tpu.memory_space<vmem>>, vector<1000x128xf32>,
    %get3A_105 = arith.constant 3000 : index
    %get3A_106 = arith.constant 0 : index
    %get3A_107 = vector.load %arg5[%get3A_105, %get3A_106] : memref<10000x16xf32, #tpu.memory_space<vmem>>, vector<1000x16xf32>
    %dot_general3A_108 = arith.constant dense<0.000000e+00> : vector<1000x16xf32>
    %dot_general3A_109 = tpu.matmul %convert_element_type3A_95, %convert_element_type3A_12, %dot_general3A_108 {dimension_numbers = #tpu.dot_dimension_numbers<[1], [0], [0], [1], [0, 0, 1, 1], [], []>, transpose_lhs_hint = false} : vector<1000x2000xbf16>, vector<2000x16xbf16>, vector<1000x16xf32> -> vector<1000x16xf32>
    %add3A_110 = arith.addf %get3A_107, %dot_general3A_109 : vector<1000x16xf32>
    %swap3A_111 = arith.constant 3000 : index
    %swap3A_112 = arith.constant 0 : index
    %swap3A_113 = vector.load %arg5[%swap3A_111, %swap3A_112] : memref<10000x16xf32, #tpu.memory_space<vmem>>, vector<1000x16xf32>
    tpu.vector_store %arg5[%swap3A_111, %swap3A_112], %add3A_110 {strides = array<i32>} : memref<10000x16xf32, #tpu.memory_space<vmem>>, vector<1000x16xf32>,
    %add3A_114 = arith.constant 4000 : i32
    %add3A_115 = vector.broadcast %add3A_114 : i32 to vector<1000x2000xi32>
    %add3A_116 = arith.addi %iota3A, %add3A_115 : vector<1000x2000xi32>
    %eq3A_117 = vector.broadcast %reshape3A : vector<1x2000xi32> to vector<1000x2000xi32>
    %eq3A_118 = arith.cmpi eq, %add3A_116, %eq3A_117 : vector<1000x2000xi32>
    %convert_element_type3A_119 = arith.extui %eq3A_118 : vector<1000x2000xi1> to vector<1000x2000xi32>
    %convert_element_type3A_120 = arith.sitofp %convert_element_type3A_119 : vector<1000x2000xi32> to vector<1000x2000xf32>
    %convert_element_type3A_121 = arith.truncf %convert_element_type3A_120 : vector<1000x2000xf32> to vector<1000x2000xbf16>
    %get3A_122 = arith.constant 4000 : index
    %get3A_123 = arith.constant 0 : index
    %get3A_124 = vector.load %arg4[%get3A_122, %get3A_123] : memref<10000x128xf32, #tpu.memory_space<vmem>>, vector<1000x128xf32>
    %dot_general3A_125 = arith.constant dense<0.000000e+00> : vector<1000x128xf32>
    %dot_general3A_126 = tpu.matmul %convert_element_type3A_121, %convert_element_type3A_8, %dot_general3A_125 {dimension_numbers = #tpu.dot_dimension_numbers<[1], [0], [0], [1], [0, 0, 1, 1], [], []>, transpose_lhs_hint = false} : vector<1000x2000xbf16>, vector<2000x128xbf16>, vector<1000x128xf32> -> vector<1000x128xf32>
    %add3A_127 = arith.addf %get3A_124, %dot_general3A_126 : vector<1000x128xf32>
    %swap3A_128 = arith.constant 4000 : index
    %swap3A_129 = arith.constant 0 : index
    %swap3A_130 = vector.load %arg4[%swap3A_128, %swap3A_129] : memref<10000x128xf32, #tpu.memory_space<vmem>>, vector<1000x128xf32>
    tpu.vector_store %arg4[%swap3A_128, %swap3A_129], %add3A_127 {strides = array<i32>} : memref<10000x128xf32, #tpu.memory_space<vmem>>, vector<1000x128xf32>,
    %get3A_131 = arith.constant 4000 : index
    %get3A_132 = arith.constant 0 : index
    %get3A_133 = vector.load %arg5[%get3A_131, %get3A_132] : memref<10000x16xf32, #tpu.memory_space<vmem>>, vector<1000x16xf32>
    %dot_general3A_134 = arith.constant dense<0.000000e+00> : vector<1000x16xf32>
    %dot_general3A_135 = tpu.matmul %convert_element_type3A_121, %convert_element_type3A_12, %dot_general3A_134 {dimension_numbers = #tpu.dot_dimension_numbers<[1], [0], [0], [1], [0, 0, 1, 1], [], []>, transpose_lhs_hint = false} : vector<1000x2000xbf16>, vector<2000x16xbf16>, vector<1000x16xf32> -> vector<1000x16xf32>
    %add3A_136 = arith.addf %get3A_133, %dot_general3A_135 : vector<1000x16xf32>
    %swap3A_137 = arith.constant 4000 : index
    %swap3A_138 = arith.constant 0 : index
    %swap3A_139 = vector.load %arg5[%swap3A_137, %swap3A_138] : memref<10000x16xf32, #tpu.memory_space<vmem>>, vector<1000x16xf32>
    tpu.vector_store %arg5[%swap3A_137, %swap3A_138], %add3A_136 {strides = array<i32>} : memref<10000x16xf32, #tpu.memory_space<vmem>>, vector<1000x16xf32>,
    %add3A_140 = arith.constant 5000 : i32
    %add3A_141 = vector.broadcast %add3A_140 : i32 to vector<1000x2000xi32>
    %add3A_142 = arith.addi %iota3A, %add3A_141 : vector<1000x2000xi32>
    %eq3A_143 = vector.broadcast %reshape3A : vector<1x2000xi32> to vector<1000x2000xi32>
    %eq3A_144 = arith.cmpi eq, %add3A_142, %eq3A_143 : vector<1000x2000xi32>
    %convert_element_type3A_145 = arith.extui %eq3A_144 : vector<1000x2000xi1> to vector<1000x2000xi32>
    %convert_element_type3A_146 = arith.sitofp %convert_element_type3A_145 : vector<1000x2000xi32> to vector<1000x2000xf32>
    %convert_element_type3A_147 = arith.truncf %convert_element_type3A_146 : vector<1000x2000xf32> to vector<1000x2000xbf16>
    %get3A_148 = arith.constant 5000 : index
    %get3A_149 = arith.constant 0 : index
    %get3A_150 = vector.load %arg4[%get3A_148, %get3A_149] : memref<10000x128xf32, #tpu.memory_space<vmem>>, vector<1000x128xf32>
    %dot_general3A_151 = arith.constant dense<0.000000e+00> : vector<1000x128xf32>
    %dot_general3A_152 = tpu.matmul %convert_element_type3A_147, %convert_element_type3A_8, %dot_general3A_151 {dimension_numbers = #tpu.dot_dimension_numbers<[1], [0], [0], [1], [0, 0, 1, 1], [], []>, transpose_lhs_hint = false} : vector<1000x2000xbf16>, vector<2000x128xbf16>, vector<1000x128xf32> -> vector<1000x128xf32>
    %add3A_153 = arith.addf %get3A_150, %dot_general3A_152 : vector<1000x128xf32>
    %swap3A_154 = arith.constant 5000 : index
    %swap3A_155 = arith.constant 0 : index
    %swap3A_156 = vector.load %arg4[%swap3A_154, %swap3A_155] : memref<10000x128xf32, #tpu.memory_space<vmem>>, vector<1000x128xf32>
    tpu.vector_store %arg4[%swap3A_154, %swap3A_155], %add3A_153 {strides = array<i32>} : memref<10000x128xf32, #tpu.memory_space<vmem>>, vector<1000x128xf32>,
    %get3A_157 = arith.constant 5000 : index
    %get3A_158 = arith.constant 0 : index
    %get3A_159 = vector.load %arg5[%get3A_157, %get3A_158] : memref<10000x16xf32, #tpu.memory_space<vmem>>, vector<1000x16xf32>
    %dot_general3A_160 = arith.constant dense<0.000000e+00> : vector<1000x16xf32>
    %dot_general3A_161 = tpu.matmul %convert_element_type3A_147, %convert_element_type3A_12, %dot_general3A_160 {dimension_numbers = #tpu.dot_dimension_numbers<[1], [0], [0], [1], [0, 0, 1, 1], [], []>, transpose_lhs_hint = false} : vector<1000x2000xbf16>, vector<2000x16xbf16>, vector<1000x16xf32> -> vector<1000x16xf32>
    %add3A_162 = arith.addf %get3A_159, %dot_general3A_161 : vector<1000x16xf32>
    %swap3A_163 = arith.constant 5000 : index
    %swap3A_164 = arith.constant 0 : index
    %swap3A_165 = vector.load %arg5[%swap3A_163, %swap3A_164] : memref<10000x16xf32, #tpu.memory_space<vmem>>, vector<1000x16xf32>
    tpu.vector_store %arg5[%swap3A_163, %swap3A_164], %add3A_162 {strides = array<i32>} : memref<10000x16xf32, #tpu.memory_space<vmem>>, vector<1000x16xf32>,
    %add3A_166 = arith.constant 6000 : i32
    %add3A_167 = vector.broadcast %add3A_166 : i32 to vector<1000x2000xi32>
    %add3A_168 = arith.addi %iota3A, %add3A_167 : vector<1000x2000xi32>
    %eq3A_169 = vector.broadcast %reshape3A : vector<1x2000xi32> to vector<1000x2000xi32>
    %eq3A_170 = arith.cmpi eq, %add3A_168, %eq3A_169 : vector<1000x2000xi32>
    %convert_element_type3A_171 = arith.extui %eq3A_170 : vector<1000x2000xi1> to vector<1000x2000xi32>
    %convert_element_type3A_172 = arith.sitofp %convert_element_type3A_171 : vector<1000x2000xi32> to vector<1000x2000xf32>
    %convert_element_type3A_173 = arith.truncf %convert_element_type3A_172 : vector<1000x2000xf32> to vector<1000x2000xbf16>
    %get3A_174 = arith.constant 6000 : index
    %get3A_175 = arith.constant 0 : index
    %get3A_176 = vector.load %arg4[%get3A_174, %get3A_175] : memref<10000x128xf32, #tpu.memory_space<vmem>>, vector<1000x128xf32>
    %dot_general3A_177 = arith.constant dense<0.000000e+00> : vector<1000x128xf32>
    %dot_general3A_178 = tpu.matmul %convert_element_type3A_173, %convert_element_type3A_8, %dot_general3A_177 {dimension_numbers = #tpu.dot_dimension_numbers<[1], [0], [0], [1], [0, 0, 1, 1], [], []>, transpose_lhs_hint = false} : vector<1000x2000xbf16>, vector<2000x128xbf16>, vector<1000x128xf32> -> vector<1000x128xf32>
    %add3A_179 = arith.addf %get3A_176, %dot_general3A_178 : vector<1000x128xf32>
    %swap3A_180 = arith.constant 6000 : index
    %swap3A_181 = arith.constant 0 : index
    %swap3A_182 = vector.load %arg4[%swap3A_180, %swap3A_181] : memref<10000x128xf32, #tpu.memory_space<vmem>>, vector<1000x128xf32>
    tpu.vector_store %arg4[%swap3A_180, %swap3A_181], %add3A_179 {strides = array<i32>} : memref<10000x128xf32, #tpu.memory_space<vmem>>, vector<1000x128xf32>,
    %get3A_183 = arith.constant 6000 : index
    %get3A_184 = arith.constant 0 : index
    %get3A_185 = vector.load %arg5[%get3A_183, %get3A_184] : memref<10000x16xf32, #tpu.memory_space<vmem>>, vector<1000x16xf32>
    %dot_general3A_186 = arith.constant dense<0.000000e+00> : vector<1000x16xf32>
    %dot_general3A_187 = tpu.matmul %convert_element_type3A_173, %convert_element_type3A_12, %dot_general3A_186 {dimension_numbers = #tpu.dot_dimension_numbers<[1], [0], [0], [1], [0, 0, 1, 1], [], []>, transpose_lhs_hint = false} : vector<1000x2000xbf16>, vector<2000x16xbf16>, vector<1000x16xf32> -> vector<1000x16xf32>
    %add3A_188 = arith.addf %get3A_185, %dot_general3A_187 : vector<1000x16xf32>
    %swap3A_189 = arith.constant 6000 : index
    %swap3A_190 = arith.constant 0 : index
    %swap3A_191 = vector.load %arg5[%swap3A_189, %swap3A_190] : memref<10000x16xf32, #tpu.memory_space<vmem>>, vector<1000x16xf32>
    tpu.vector_store %arg5[%swap3A_189, %swap3A_190], %add3A_188 {strides = array<i32>} : memref<10000x16xf32, #tpu.memory_space<vmem>>, vector<1000x16xf32>,
    %add3A_192 = arith.constant 7000 : i32
    %add3A_193 = vector.broadcast %add3A_192 : i32 to vector<1000x2000xi32>
    %add3A_194 = arith.addi %iota3A, %add3A_193 : vector<1000x2000xi32>
    %eq3A_195 = vector.broadcast %reshape3A : vector<1x2000xi32> to vector<1000x2000xi32>
    %eq3A_196 = arith.cmpi eq, %add3A_194, %eq3A_195 : vector<1000x2000xi32>
    %convert_element_type3A_197 = arith.extui %eq3A_196 : vector<1000x2000xi1> to vector<1000x2000xi32>
    %convert_element_type3A_198 = arith.sitofp %convert_element_type3A_197 : vector<1000x2000xi32> to vector<1000x2000xf32>
    %convert_element_type3A_199 = arith.truncf %convert_element_type3A_198 : vector<1000x2000xf32> to vector<1000x2000xbf16>
    %get3A_200 = arith.constant 7000 : index
    %get3A_201 = arith.constant 0 : index
    %get3A_202 = vector.load %arg4[%get3A_200, %get3A_201] : memref<10000x128xf32, #tpu.memory_space<vmem>>, vector<1000x128xf32>
    %dot_general3A_203 = arith.constant dense<0.000000e+00> : vector<1000x128xf32>
    %dot_general3A_204 = tpu.matmul %convert_element_type3A_199, %convert_element_type3A_8, %dot_general3A_203 {dimension_numbers = #tpu.dot_dimension_numbers<[1], [0], [0], [1], [0, 0, 1, 1], [], []>, transpose_lhs_hint = false} : vector<1000x2000xbf16>, vector<2000x128xbf16>, vector<1000x128xf32> -> vector<1000x128xf32>
    %add3A_205 = arith.addf %get3A_202, %dot_general3A_204 : vector<1000x128xf32>
    %swap3A_206 = arith.constant 7000 : index
    %swap3A_207 = arith.constant 0 : index
    %swap3A_208 = vector.load %arg4[%swap3A_206, %swap3A_207] : memref<10000x128xf32, #tpu.memory_space<vmem>>, vector<1000x128xf32>
    tpu.vector_store %arg4[%swap3A_206, %swap3A_207], %add3A_205 {strides = array<i32>} : memref<10000x128xf32, #tpu.memory_space<vmem>>, vector<1000x128xf32>,
    %get3A_209 = arith.constant 7000 : index
    %get3A_210 = arith.constant 0 : index
    %get3A_211 = vector.load %arg5[%get3A_209, %get3A_210] : memref<10000x16xf32, #tpu.memory_space<vmem>>, vector<1000x16xf32>
    %dot_general3A_212 = arith.constant dense<0.000000e+00> : vector<1000x16xf32>
    %dot_general3A_213 = tpu.matmul %convert_element_type3A_199, %convert_element_type3A_12, %dot_general3A_212 {dimension_numbers = #tpu.dot_dimension_numbers<[1], [0], [0], [1], [0, 0, 1, 1], [], []>, transpose_lhs_hint = false} : vector<1000x2000xbf16>, vector<2000x16xbf16>, vector<1000x16xf32> -> vector<1000x16xf32>
    %add3A_214 = arith.addf %get3A_211, %dot_general3A_213 : vector<1000x16xf32>
    %swap3A_215 = arith.constant 7000 : index
    %swap3A_216 = arith.constant 0 : index
    %swap3A_217 = vector.load %arg5[%swap3A_215, %swap3A_216] : memref<10000x16xf32, #tpu.memory_space<vmem>>, vector<1000x16xf32>
    tpu.vector_store %arg5[%swap3A_215, %swap3A_216], %add3A_214 {strides = array<i32>} : memref<10000x16xf32, #tpu.memory_space<vmem>>, vector<1000x16xf32>,
    %add3A_218 = arith.constant 8000 : i32
    %add3A_219 = vector.broadcast %add3A_218 : i32 to vector<1000x2000xi32>
    %add3A_220 = arith.addi %iota3A, %add3A_219 : vector<1000x2000xi32>
    %eq3A_221 = vector.broadcast %reshape3A : vector<1x2000xi32> to vector<1000x2000xi32>
    %eq3A_222 = arith.cmpi eq, %add3A_220, %eq3A_221 : vector<1000x2000xi32>
    %convert_element_type3A_223 = arith.extui %eq3A_222 : vector<1000x2000xi1> to vector<1000x2000xi32>
    %convert_element_type3A_224 = arith.sitofp %convert_element_type3A_223 : vector<1000x2000xi32> to vector<1000x2000xf32>
    %convert_element_type3A_225 = arith.truncf %convert_element_type3A_224 : vector<1000x2000xf32> to vector<1000x2000xbf16>
    %get3A_226 = arith.constant 8000 : index
    %get3A_227 = arith.constant 0 : index
    %get3A_228 = vector.load %arg4[%get3A_226, %get3A_227] : memref<10000x128xf32, #tpu.memory_space<vmem>>, vector<1000x128xf32>
    %dot_general3A_229 = arith.constant dense<0.000000e+00> : vector<1000x128xf32>
    %dot_general3A_230 = tpu.matmul %convert_element_type3A_225, %convert_element_type3A_8, %dot_general3A_229 {dimension_numbers = #tpu.dot_dimension_numbers<[1], [0], [0], [1], [0, 0, 1, 1], [], []>, transpose_lhs_hint = false} : vector<1000x2000xbf16>, vector<2000x128xbf16>, vector<1000x128xf32> -> vector<1000x128xf32>
    %add3A_231 = arith.addf %get3A_228, %dot_general3A_230 : vector<1000x128xf32>
    %swap3A_232 = arith.constant 8000 : index
    %swap3A_233 = arith.constant 0 : index
    %swap3A_234 = vector.load %arg4[%swap3A_232, %swap3A_233] : memref<10000x128xf32, #tpu.memory_space<vmem>>, vector<1000x128xf32>
    tpu.vector_store %arg4[%swap3A_232, %swap3A_233], %add3A_231 {strides = array<i32>} : memref<10000x128xf32, #tpu.memory_space<vmem>>, vector<1000x128xf32>,
    %get3A_235 = arith.constant 8000 : index
    %get3A_236 = arith.constant 0 : index
    %get3A_237 = vector.load %arg5[%get3A_235, %get3A_236] : memref<10000x16xf32, #tpu.memory_space<vmem>>, vector<1000x16xf32>
    %dot_general3A_238 = arith.constant dense<0.000000e+00> : vector<1000x16xf32>
    %dot_general3A_239 = tpu.matmul %convert_element_type3A_225, %convert_element_type3A_12, %dot_general3A_238 {dimension_numbers = #tpu.dot_dimension_numbers<[1], [0], [0], [1], [0, 0, 1, 1], [], []>, transpose_lhs_hint = false} : vector<1000x2000xbf16>, vector<2000x16xbf16>, vector<1000x16xf32> -> vector<1000x16xf32>
    %add3A_240 = arith.addf %get3A_237, %dot_general3A_239 : vector<1000x16xf32>
    %swap3A_241 = arith.constant 8000 : index
    %swap3A_242 = arith.constant 0 : index
    %swap3A_243 = vector.load %arg5[%swap3A_241, %swap3A_242] : memref<10000x16xf32, #tpu.memory_space<vmem>>, vector<1000x16xf32>
    tpu.vector_store %arg5[%swap3A_241, %swap3A_242], %add3A_240 {strides = array<i32>} : memref<10000x16xf32, #tpu.memory_space<vmem>>, vector<1000x16xf32>,
    %add3A_244 = arith.constant 9000 : i32
    %add3A_245 = vector.broadcast %add3A_244 : i32 to vector<1000x2000xi32>
    %add3A_246 = arith.addi %iota3A, %add3A_245 : vector<1000x2000xi32>
    %eq3A_247 = vector.broadcast %reshape3A : vector<1x2000xi32> to vector<1000x2000xi32>
    %eq3A_248 = arith.cmpi eq, %add3A_246, %eq3A_247 : vector<1000x2000xi32>
    %convert_element_type3A_249 = arith.extui %eq3A_248 : vector<1000x2000xi1> to vector<1000x2000xi32>
    %convert_element_type3A_250 = arith.sitofp %convert_element_type3A_249 : vector<1000x2000xi32> to vector<1000x2000xf32>
    %convert_element_type3A_251 = arith.truncf %convert_element_type3A_250 : vector<1000x2000xf32> to vector<1000x2000xbf16>
    %get3A_252 = arith.constant 9000 : index
    %get3A_253 = arith.constant 0 : index
    %get3A_254 = vector.load %arg4[%get3A_252, %get3A_253] : memref<10000x128xf32, #tpu.memory_space<vmem>>, vector<1000x128xf32>
    %dot_general3A_255 = arith.constant dense<0.000000e+00> : vector<1000x128xf32>
    %dot_general3A_256 = tpu.matmul %convert_element_type3A_251, %convert_element_type3A_8, %dot_general3A_255 {dimension_numbers = #tpu.dot_dimension_numbers<[1], [0], [0], [1], [0, 0, 1, 1], [], []>, transpose_lhs_hint = false} : vector<1000x2000xbf16>, vector<2000x128xbf16>, vector<1000x128xf32> -> vector<1000x128xf32>
    %add3A_257 = arith.addf %get3A_254, %dot_general3A_256 : vector<1000x128xf32>
    %swap3A_258 = arith.constant 9000 : index
    %swap3A_259 = arith.constant 0 : index
    %swap3A_260 = vector.load %arg4[%swap3A_258, %swap3A_259] : memref<10000x128xf32, #tpu.memory_space<vmem>>, vector<1000x128xf32>
    tpu.vector_store %arg4[%swap3A_258, %swap3A_259], %add3A_257 {strides = array<i32>} : memref<10000x128xf32, #tpu.memory_space<vmem>>, vector<1000x128xf32>,
    %get3A_261 = arith.constant 9000 : index
    %get3A_262 = arith.constant 0 : index
    %get3A_263 = vector.load %arg5[%get3A_261, %get3A_262] : memref<10000x16xf32, #tpu.memory_space<vmem>>, vector<1000x16xf32>
    %dot_general3A_264 = arith.constant dense<0.000000e+00> : vector<1000x16xf32>
    %dot_general3A_265 = tpu.matmul %convert_element_type3A_251, %convert_element_type3A_12, %dot_general3A_264 {dimension_numbers = #tpu.dot_dimension_numbers<[1], [0], [0], [1], [0, 0, 1, 1], [], []>, transpose_lhs_hint = false} : vector<1000x2000xbf16>, vector<2000x16xbf16>, vector<1000x16xf32> -> vector<1000x16xf32>
    %add3A_266 = arith.addf %get3A_263, %dot_general3A_265 : vector<1000x16xf32>
    %swap3A_267 = arith.constant 9000 : index
    %swap3A_268 = arith.constant 0 : index
    %swap3A_269 = vector.load %arg5[%swap3A_267, %swap3A_268] : memref<10000x16xf32, #tpu.memory_space<vmem>>, vector<1000x16xf32>
    tpu.vector_store %arg5[%swap3A_267, %swap3A_268], %add3A_266 {strides = array<i32>} : memref<10000x16xf32, #tpu.memory_space<vmem>>, vector<1000x16xf32>,
    return
  }
  func.func @transform_0(%arg0: i32) -> (i32, i32, i32) {
    %c0_i32 = arith.constant 0 : i32
    %c0_i32_0 = arith.constant 0 : i32
    %c0_i32_1 = arith.constant 0 : i32
    return %arg0, %c0_i32, %c0_i32_0 : i32, i32, i32
  }
  func.func @transform_1(%arg0: i32) -> (i32, i32) {
    %c0_i32 = arith.constant 0 : i32
    %c0_i32_0 = arith.constant 0 : i32
    return %arg0, %c0_i32 : i32, i32
  }
  func.func @transform_2(%arg0: i32) -> (i32, i32) {
    %c0_i32 = arith.constant 0 : i32
    %c0_i32_0 = arith.constant 0 : i32
    return %arg0, %c0_i32 : i32, i32
  }
  func.func @transform_3(%arg0: i32) -> (i32, i32) {
    %c0_i32 = arith.constant 0 : i32
    %c0_i32_0 = arith.constant 0 : i32
    %c0_i32_1 = arith.constant 0 : i32
    return %c0_i32, %c0_i32_0 : i32, i32
  }
  func.func @transform_4(%arg0: i32) -> (i32, i32) {
    %c0_i32 = arith.constant 0 : i32
    %c0_i32_0 = arith.constant 0 : i32
    %c0_i32_1 = arith.constant 0 : i32
    return %c0_i32, %c0_i32_0 : i32, i32
  }
}

module attributes {stable_mosaic.version = 14 : i64} {
  func.func @_finish_block(%arg0: i32, %arg1: memref<1000x128xf32, #tpu.memory_space<vmem>>, %arg2: memref<1000x16xf32, #tpu.memory_space<vmem>>, %arg3: memref<128x128xf32, #tpu.memory_space<vmem>>, %arg4: memref<1x128xf32, #tpu.memory_space<vmem>>, %arg5: memref<128x128xf32, #tpu.memory_space<vmem>>, %arg6: memref<1x128xf32, #tpu.memory_space<vmem>>, %arg7: memref<16x128xf32, #tpu.memory_space<vmem>>, %arg8: memref<1000x128xf32, #tpu.memory_space<vmem>>) attributes {dimension_semantics = [#tpu.dimension_semantics<arbitrary>], iteration_bounds = array<i64: 10>, scalar_prefetch = 0 : i64, scratch_operands = 0 : i64, tpu.core_type = #tpu.core_type<tc>, window_params = [{transform_indices = @transform_0, window_bounds = array<i64: 1000, 128>}, {transform_indices = @transform_1, window_bounds = array<i64: 1000, 16>}, {pipeline_mode = #tpu.pipeline_mode<synchronous>, transform_indices = @transform_2, window_bounds = array<i64: 128, 128>}, {pipeline_mode = #tpu.pipeline_mode<synchronous>, transform_indices = @transform_3, window_bounds = array<i64: 1, 128>}, {pipeline_mode = #tpu.pipeline_mode<synchronous>, transform_indices = @transform_4, window_bounds = array<i64: 128, 128>}, {pipeline_mode = #tpu.pipeline_mode<synchronous>, transform_indices = @transform_5, window_bounds = array<i64: 1, 128>}, {pipeline_mode = #tpu.pipeline_mode<synchronous>, transform_indices = @transform_6, window_bounds = array<i64: 16, 128>}, {transform_indices = @transform_7, window_bounds = array<i64: 1000, 128>}]} {
    %get3A = arith.constant 0 : index
    %get3A_0 = arith.constant 0 : index
    %get3A_1 = vector.load %arg1[%get3A, %get3A_0] : memref<1000x128xf32, #tpu.memory_space<vmem>>, vector<1000x128xf32>
    %get3A_2 = arith.constant 0 : index
    %get3A_3 = arith.constant 0 : index
    %get3A_4 = vector.load %arg2[%get3A_2, %get3A_3] : memref<1000x16xf32, #tpu.memory_space<vmem>>, vector<1000x16xf32>
    %get3A_5 = arith.constant 0 : index
    %get3A_6 = arith.constant 0 : index
    %get3A_7 = vector.load %arg7[%get3A_5, %get3A_6] : memref<16x128xf32, #tpu.memory_space<vmem>>, vector<16x128xf32>
    %dot_general3A = arith.constant dense<0.000000e+00> : vector<1000x128xf32>
    %dot_general3A_8 = tpu.matmul %get3A_4, %get3A_7, %dot_general3A {dimension_numbers = #tpu.dot_dimension_numbers<[1], [0], [0], [1], [0, 0, 1, 1], [], []>, transpose_lhs_hint = false} : vector<1000x16xf32>, vector<16x128xf32>, vector<1000x128xf32> -> vector<1000x128xf32>
    %add3A = arith.constant 1.000000e-16 : f32
    %add3A_9 = vector.broadcast %add3A : f32 to vector<1000x128xf32>
    %add3A_10 = arith.addf %dot_general3A_8, %add3A_9 : vector<1000x128xf32>
    %div3A = arith.divf %get3A_1, %add3A_10 : vector<1000x128xf32>
    %max3A = arith.constant 0.000000e+00 : f32
    %max3A_11 = vector.broadcast %max3A : f32 to vector<1000x128xf32>
    %max3A_12 = arith.maximumf %div3A, %max3A_11 : vector<1000x128xf32>
    %get3A_13 = arith.constant 0 : index
    %get3A_14 = arith.constant 0 : index
    %get3A_15 = vector.load %arg3[%get3A_13, %get3A_14] : memref<128x128xf32, #tpu.memory_space<vmem>>, vector<128x128xf32>
    %dot_general3A_16 = arith.constant dense<0.000000e+00> : vector<1000x128xf32>
    %dot_general3A_17 = tpu.matmul %max3A_12, %get3A_15, %dot_general3A_16 {dimension_numbers = #tpu.dot_dimension_numbers<[1], [0], [0], [1], [0, 0, 1, 1], [], []>, transpose_lhs_hint = false} : vector<1000x128xf32>, vector<128x128xf32>, vector<1000x128xf32> -> vector<1000x128xf32>
    %get3A_18 = arith.constant 0 : index
    %get3A_19 = arith.constant 0 : index
    %get3A_20 = vector.load %arg4[%get3A_18, %get3A_19] : memref<1x128xf32, #tpu.memory_space<vmem>>, vector<1x128xf32>
    %add3A_21 = vector.broadcast %get3A_20 : vector<1x128xf32> to vector<1000x128xf32>
    %add3A_22 = arith.addf %dot_general3A_17, %add3A_21 : vector<1000x128xf32>
    %max3A_23 = arith.constant 0.000000e+00 : f32
    %max3A_24 = vector.broadcast %max3A_23 : f32 to vector<1000x128xf32>
    %max3A_25 = arith.maximumf %add3A_22, %max3A_24 : vector<1000x128xf32>
    %get3A_26 = arith.constant 0 : index
    %get3A_27 = arith.constant 0 : index
    %get3A_28 = vector.load %arg5[%get3A_26, %get3A_27] : memref<128x128xf32, #tpu.memory_space<vmem>>, vector<128x128xf32>
    %dot_general3A_29 = arith.constant dense<0.000000e+00> : vector<1000x128xf32>
    %dot_general3A_30 = tpu.matmul %max3A_25, %get3A_28, %dot_general3A_29 {dimension_numbers = #tpu.dot_dimension_numbers<[1], [0], [0], [1], [0, 0, 1, 1], [], []>, transpose_lhs_hint = false} : vector<1000x128xf32>, vector<128x128xf32>, vector<1000x128xf32> -> vector<1000x128xf32>
    %get3A_31 = arith.constant 0 : index
    %get3A_32 = arith.constant 0 : index
    %get3A_33 = vector.load %arg6[%get3A_31, %get3A_32] : memref<1x128xf32, #tpu.memory_space<vmem>>, vector<1x128xf32>
    %add3A_34 = vector.broadcast %get3A_33 : vector<1x128xf32> to vector<1000x128xf32>
    %add3A_35 = arith.addf %dot_general3A_30, %add3A_34 : vector<1000x128xf32>
    %add3A_36 = arith.addf %add3A_35, %max3A_25 : vector<1000x128xf32>
    %max3A_37 = arith.constant 0.000000e+00 : f32
    %max3A_38 = vector.broadcast %max3A_37 : f32 to vector<1000x128xf32>
    %max3A_39 = arith.maximumf %add3A_36, %max3A_38 : vector<1000x128xf32>
    %swap3A = arith.constant 0 : index
    %swap3A_40 = arith.constant 0 : index
    %swap3A_41 = vector.load %arg8[%swap3A, %swap3A_40] : memref<1000x128xf32, #tpu.memory_space<vmem>>, vector<1000x128xf32>
    tpu.vector_store %arg8[%swap3A, %swap3A_40], %max3A_39 {strides = array<i32>} : memref<1000x128xf32, #tpu.memory_space<vmem>>, vector<1000x128xf32>,
    return
  }
  func.func @transform_0(%arg0: i32) -> (i32, i32) {
    %c0_i32 = arith.constant 0 : i32
    %c0_i32_0 = arith.constant 0 : i32
    return %arg0, %c0_i32 : i32, i32
  }
  func.func @transform_1(%arg0: i32) -> (i32, i32) {
    %c0_i32 = arith.constant 0 : i32
    %c0_i32_0 = arith.constant 0 : i32
    return %arg0, %c0_i32 : i32, i32
  }
  func.func @transform_2(%arg0: i32) -> (i32, i32) {
    %c0_i32 = arith.constant 0 : i32
    %c0_i32_0 = arith.constant 0 : i32
    %c0_i32_1 = arith.constant 0 : i32
    return %c0_i32, %c0_i32_0 : i32, i32
  }
  func.func @transform_3(%arg0: i32) -> (i32, i32) {
    %c0_i32 = arith.constant 0 : i32
    %c0_i32_0 = arith.constant 0 : i32
    %c0_i32_1 = arith.constant 0 : i32
    return %c0_i32, %c0_i32_0 : i32, i32
  }
  func.func @transform_4(%arg0: i32) -> (i32, i32) {
    %c0_i32 = arith.constant 0 : i32
    %c0_i32_0 = arith.constant 0 : i32
    %c0_i32_1 = arith.constant 0 : i32
    return %c0_i32, %c0_i32_0 : i32, i32
  }
  func.func @transform_5(%arg0: i32) -> (i32, i32) {
    %c0_i32 = arith.constant 0 : i32
    %c0_i32_0 = arith.constant 0 : i32
    %c0_i32_1 = arith.constant 0 : i32
    return %c0_i32, %c0_i32_0 : i32, i32
  }
  func.func @transform_6(%arg0: i32) -> (i32, i32) {
    %c0_i32 = arith.constant 0 : i32
    %c0_i32_0 = arith.constant 0 : i32
    %c0_i32_1 = arith.constant 0 : i32
    return %c0_i32, %c0_i32_0 : i32, i32
  }
  func.func @transform_7(%arg0: i32) -> (i32, i32) {
    %c0_i32 = arith.constant 0 : i32
    %c0_i32_0 = arith.constant 0 : i32
    return %arg0, %c0_i32 : i32, i32
  }
}

</mosaic_0001>

<sc_bundles>
// kernel: kernel.6.cloned.1.call-start
scs
__scs_entry_jumppad:
0x0: {  	(pc) =	sbr.rel $0x88, $3  }
0x1: {  	(tag) =	ssettag $0x0;
	lr =	simm.s32 $0x1  }
0x2: {  	[smem:$0x3F90] =	sst lr;
	_ =	strace $0xD0000000  }
0x3: {  	_ = 	snop  }
0x4: {  	_ = 	snop  }
0x5: {  	_ = 	snop  }
0x6: {  	_ = 	snop  }
0x7: {  	_ = 	snop  }
__scs_overlays_trampoline_lowered:
0x8: {  	[smem:$0x3F9F] =	sst s0  }
0x9: {  	[smem:$0x3FA0] =	sst s1  }
0xa: {  	[smem:$0x3FA1] =	sst s2  }
0xb: {  	[smem:$0x3FA2] =	sst s3  }
0xc: {  	[smem:$0x3FA3] =	sst s4  }
0xd: {  	[smem:$0x3FA4] =	sst s5  }
0xe: {  	[smem:$0x3FA5] =	sst s6  }
0xf: {  	[smem:$0x3FA6] =	sst s7  }
0x10: {  	[smem:$0x3FA7] =	sst s8  }
0x11: {  	[smem:$0x3FA8] =	sst s9;
	s0 =	simm.s32 @!p0 $0x0  }
0x12: {  	s1 =	sld [smem:$0x3F8E];
	s0 =	simm.s32 @p0 $0x1  }
0x13: {  	[smem:$0x3FA9] =	sst s0;
	s0 =	simm.s32 @!p1 $0x0  }
0x14: {  	s2 =	sld [smem:$0x3F8D];
	s0 =	simm.s32 @p1 $0x1  }
0x15: {  	[smem:$0x3FAA] =	sst s0;
	s0 =	simm.s32 @!p2 $0x0  }
0x16: {  	s3 =	sld [smem:$0x3FDB];
	s0 =	simm.s32 @p2 $0x1  }
0x17: {  	s4 =	simm.s32 $0x1BF5;
	[smem:$0x3FAC] =	sst s0  }
0x18: {  	s0 =	sld [smem:$0x3F8F];
	_ =	swait.ge [sflag:s4], $0x0  }
0x19: {  	s7 =	sld [smem:$0x3F90]  }
0x1a: {  	s8 =	sadd.s32 $0xFFFFE003, lr  }
0x1b: {  	s9 =	sadd.s32 $0xFFFFFEF7, lr;
	s5 =	simm.s32 $0xFFFFFFFF;
	p2 =	slt.u32 s8, $0xFFFFF086  }
0x1c: {  	p1 =	slt.u32 s9, $0xF7A;
	s5 =	simm.s32 @!p2 $0x0  }
0x1d: {  	s5 =	simm.s32 @p1 $0x1;
	p0 =	seq.s32 s7, s2  }
0x1e: {  	s7 =	smul.u32 @!p0 $0xF7A, s2;
	p2 =	seq.s32 @!p0 s5, $0x0  }
0x1f: {  	s9 =	smul.u32 $0xF7A, s1;
	s8 =	simm.s32 @!p0 $0x1BF5;
	p2 =	por !p2, p0  }
0x20: {  	[sflag:s8] =	ssyncset.s32 @!p0 $0xFFFFF086;
	s6 =	sadd.s32 @!p0 s3, s7;
	s7 =	simm.s32 @!p0 $0x108  }
0x21: {  	s3 =	sadd.s32 s3, s9;
	s6 =	sadd.s32 @!p0 $0x88, s6;
	s7 =	simm.s32 @p2 $0x1082  }
0x22: {  	[simem:s7], [sflag:s8] =	dma.local @!p0 [hbm:s6], $0xF7A  }
0x23: {  	s9 =	sor.u32 $0xD0000000, s2;
	s6 =	simm.s32 $0x108;
	_ =	swait.ge @!p0 [sflag:s8], $0x0  }
0x24: {  	s3 =	sadd.s32 $0x88, s3;
	s6 =	simm.s32 @!p1 $0x1082;
	[sflag:s4] =	ssyncset.s32 $0xFFFFF086  }
0x25: {  	[simem:s6], [sflag:s4] =	dma.local [hbm:s3], $0xF7A  }
0x26: {  	[smem:$0x3F90] =	sst s1;
	(tag) =	ssettag s2;
	_ =	strace s9  }
0x27: {  	s1 =	sld [smem:$0x3FA0]  }
0x28: {  	s2 =	sld [smem:$0x3FA1]  }
0x29: {  	s4 =	sld [smem:$0x3FA3]  }
0x2a: {  	p0 =	seq.s32 s5, $0x0;
	s5 =	sld [smem:$0x3FA4]  }
0x2b: {  	s6 =	sld [smem:$0x3FA5]  }
0x2c: {  	s7 =	sld [smem:$0x3FA6]  }
0x2d: {  	s3 =	simm.s32 $0x108;
	s8 =	sld [smem:$0x3FA7]  }
0x2e: {  	s3 =	simm.s32 @!p0 $0x1082;
	s9 =	sld [smem:$0x3FA8]  }
0x2f: {  	lr =	sadd.s32 s0, s3;
	s0 =	sld [smem:$0x3F9F]  }
0x30: {  	s3 =	sld [smem:$0x3FA2]  }
0x31: {  	[smem:$0x3FAB] =	sst s10  }
0x32: {  	s10 =	sld [smem:$0x3FA9];
	_ =	sdelay $0x3  }
0x33: {  	p0 =	seq.s32 s10, $0x1;
	s10 =	sld [smem:$0x3FAB];
	_ =	sdelay $0x3  }
0x34: {  	[smem:$0x3FAB] =	sst s10  }
0x35: {  	s10 =	sld [smem:$0x3FAA];
	_ =	sdelay $0x3  }
0x36: {  	p1 =	seq.s32 s10, $0x1;
	s10 =	sld [smem:$0x3FAB];
	_ =	sdelay $0x3  }
0x37: {  	[smem:$0x3FAB] =	sst s10  }
0x38: {  	s10 =	sld [smem:$0x3FAC]  }
0x39: {  	_ = 	snop;
	(pc) =	sbr.ind lr, $3  }
0x3a: {  	_ = 	snop  }
0x3b: {  	_ = 	snop  }
0x3c: {  	p2 =	seq.s32 s10, $0x1;
	s10 =	sld [smem:$0x3FAB]  }
0x3d: {  	_ =	shalt  }
0x3e: {  	_ =	shalt  }
0x3f: {  	_ =	shalt  }
0x40: {  	_ =	shalt  }
0x41: {  	_ =	shalt  }
0x42: {  	_ =	shalt  }
0x43: {  	_ =	shalt  }
0x44: {  	_ =	shalt  }
0x45: {  	_ =	shalt  }
0x46: {  	_ =	shalt  }
0x47: {  	_ =	shalt  }
0x48: {  	_ =	shalt  }
0x49: {  	_ =	shalt  }
0x4a: {  	_ =	shalt  }
0x4b: {  	_ =	shalt  }
0x4c: {  	_ =	shalt  }
0x4d: {  	_ =	shalt  }
0x4e: {  	_ =	shalt  }
0x4f: {  	_ =	shalt  }
0x50: {  	_ =	shalt  }
0x51: {  	_ =	shalt  }
0x52: {  	_ =	shalt  }
0x53: {  	_ =	shalt  }
0x54: {  	_ =	shalt  }
0x55: {  	_ =	shalt  }
0x56: {  	_ =	shalt  }
0x57: {  	_ =	shalt  }
0x58: {  	_ =	shalt  }
0x59: {  	_ =	shalt  }
0x5a: {  	_ =	shalt  }
0x5b: {  	_ =	shalt  }
0x5c: {  	_ =	shalt  }
0x5d: {  	_ =	shalt  }
0x5e: {  	_ =	shalt  }
0x5f: {  	_ =	shalt  }
0x60: {  	_ =	shalt  }
0x61: {  	_ =	shalt  }
0x62: {  	_ =	shalt  }
0x63: {  	_ =	shalt  }
0x64: {  	_ =	shalt  }
0x65: {  	_ =	shalt  }
0x66: {  	_ =	shalt  }
0x67: {  	_ =	shalt  }
0x68: {  	_ =	shalt  }
0x69: {  	_ =	shalt  }
0x6a: {  	_ =	shalt  }
0x6b: {  	_ =	shalt  }
0x6c: {  	_ =	shalt  }
0x6d: {  	_ =	shalt  }
0x6e: {  	_ =	shalt  }
0x6f: {  	_ =	shalt  }
0x70: {  	_ =	shalt  }
0x71: {  	_ =	shalt  }
0x72: {  	_ =	shalt  }
0x73: {  	_ =	shalt  }
0x74: {  	_ =	shalt  }
0x75: {  	_ =	shalt  }
0x76: {  	_ =	shalt  }
0x77: {  	_ =	shalt  }
0x78: {  	_ =	shalt  }
0x79: {  	_ =	shalt  }
0x7a: {  	_ =	shalt  }
0x7b: {  	_ =	shalt  }
0x7c: {  	_ =	shalt  }
0x7d: {  	_ =	shalt  }
0x7e: {  	_ =	shalt  }
0x7f: {  	_ =	shalt  }
0x80: {  	_ =	shalt  }
0x81: {  	_ =	shalt  }
0x82: {  	_ =	shalt  }
0x83: {  	_ =	shalt  }
0x84: {  	_ =	shalt  }
0x85: {  	_ =	shalt  }
0x86: {  	_ =	shalt  }
0x87: {  	_ =	shalt  }
.Lfunc_end0:
.L_simem_size_0:
called_computation_lowered:
.L_overlay_start_0:
0x88: {  	s2 =	sld [smem:$0x3FD9]  }
0x89: {  	s3 =	sld [smem:$0x3FFE];
	_ =	sdelay $0x1  }
0x8a: {  	s1 =	srdreg.scid  }
0x8b: {  	s0 =	sand.u32 $0x1, s1  }
0x8c: {  	s17 =	sshll.u32 s0, $0xA;
	s2 =	sadd.s32 s3, s2  }
0x8d: {  	s2 =	sadd.s32 s2, s17  }
0x8e: {  	[smem:$0x3FB7] =	sst s2  }
0x8f: {  	_ = 	snop  }
0x90: {  	s2 =	sld [smem:$0x3FC9]  }
0x91: {  	s18 =	sld [smem:$0x3FC8];
	(tm) =	ssettm $0x1  }
0x92: {  	s4 =	sld [smem:$0x3FFB];
	_ =	sdelay $0x3  }
0x93: {  	_ =	strace s4  }
0x94: {  	s4 =	sld [smem:$0x3FFC];
	_ =	sdelay $0x3  }
0x95: {  	_ =	strace s4  }
0x96: {  	s4 =	sld [smem:$0x3FFD];
	_ =	sdelay $0x3  }
0x97: {  	_ =	strace s4  }
0x98: {  	_ =	strace $0x8FFFFFFF  }
0x99: {  	s19 =	sld [smem:$0x3FDB];
	_ =	sdelay $0x1  }
0x9a: {  	s5 =	simm.s32 $_scs_section_size  }
0x9b: {  	s6 =	simm.s32 $_size__tile_overlayer_lowered;
	s7 =	simm.s32 $_tile_overlayer_lowered  }
0x9c: {  	s22 =	simm.s32 $0x1BFF;
	s21 =	sshll.u32 s7, $0x1;
	s4 =	sadd.s32 s5, s19  }
0x9d: {  	s8 =	simm.s32 $0x0;
	s20 =	sshll.u32 s6, $0x1;
	s6 =	sadd.s32 s21, s4  }
0x9e: {  	[timem:s8], [sflag:s22] =	dma.local [hbm:s6], s20  }
0x9f: {  	_ =	swait.ge [sflag:s22], s20  }
0xa0: {  	s5 =	ssub.s32 $0x0, s20;
	[sflag:s22] =	ssyncset.done $0x0  }
0xa1: {  	[sflag:s22] =	ssyncadd.s32 s5;
	_ =	sdelay $0x1  }
0xa2: {  	s23 =	simm.s32 $0x1B8B  }
0xa3: {  	_ =	swait.ge [sflag:s23], $0x1  }
0xa4: {  	[sflag:s23] =	ssyncset.done $0x0  }
0xa5: {  	s25 =	simm.s32 $0x1B8E;
	s24 =	sld [smem:$0x3FFE];
	[sflag:s23] =	ssyncadd.s32 $0xFFFFFFFF  }
0xa6: {  	s26 =	simm.s32 $execute0_lowered;
	[smem:$0x3FD2] =	sst s25  }
0xa7: {  	s6 =	sshll.u32 s26, $0x1;
	_ =	strace $0x80000046;
	[dreg:$0x1] =	wrdreg $0xFFFFFFFF  }
0xa8: {  	s28 =	simm.s32 $_size_execute0_lowered;
	s4 =	sadd.s32 s4, s6;
	[dreg:$0x0] =	wrdreg $0x0  }
0xa9: {  	s6 =	sshll.u32 s28, $0x1;
	[dreg:$0x2] =	wrdreg s4  }
0xaa: {  	[dreg:$0x3] =	wrdreg s6  }
0xab: {  	[dreg:$0x4] =	wrdreg $0xC0  }
0xac: {  	_ =	task [dreg:s8], $0x5FFFF  }
0xad: {  	[dreg:$0x1] =	wrdreg $0xFFFFFFFF  }
0xae: {  	[dreg:$0x0] =	wrdreg $0x60  }
0xaf: {  	[dreg:$0x2] =	wrdreg s2  }
0xb0: {  	[dreg:$0x3] =	wrdreg s18  }
0xb1: {  	[dreg:$0x4] =	wrdreg s24  }
0xb2: {  	[dreg:$0x5] =	wrdreg $0x9  }
0xb3: {  	_ =	task.clear_ibuf [dreg:s8], $0x6FFFF;
	_ =	strace $0x90000046  }
0xb4: {  	s29 =	simm.s32 $0x9;
	_ =	strace $0x80000048  }
0xb5: {  	_ =	swait.ge [sflag:s29], $0x1  }
0xb6: {  	[sflag:s29] =	ssyncadd.s32 $0xFFFFFFFF  }
0xb7: {  	_ =	strace $0x90000048  }
0xb8: {  	_ =	sfence  }
0xb9: {  	s30 =	sld [smem:$0x0];
	_ =	sdelay $0x2  }
0xba: {  	s31 =	sshll.u32 s1, $0xD;
	s1 =	sshrl.u32 s1, $0x2  }
0xbb: {  	s3 =	sand.u32 $0x4000, s31;
	s1 =	sadd.s32 s1, s30  }
0xbc: {  	s0 =	sor.u32 s3, s0;
	s1 =	sshll.u32 s1, $0x11  }
0xbd: {  	s0 =	sor.u32 s1, s0  }
0xbe: {  	s0 =	sadd.s32 $0x8F2B, s0  }
0xbf: {  	[sflag:s0] =	ssyncadd.remote.s32 $0x1  }
0xc0: {  	_ =	sfence.sel $0xFFFF  }
0xc1: {  	[dreg:$0x0] =	wrdreg $0xFFFFFFFF;
	(pc) =	sbr.abs _section_cstart, $3  }
0xc2: {  	[dreg:$0x1] =	wrdreg $0xFFFFFFFF  }
0xc3: {  	_ =	task.clear_ibuf [dreg:s8], $0x2FFFF;
	_ =	strace $0x9FFFFFFF  }
0xc4: {  	(tm) =	ssettm $0x7FFFFFFF  }
0xc5: {  	_ =	shalt  }
tec
execute0_lowered:
.L_overlay_start_1:
0x0: {  	(tag) =	ssettag $0x1  }
0x1: {  	s1 =	rddreg [dreg:$0x0]  }
0x2: {  	s3 =	rddreg [dreg:$0x1]  }
0x3: {  	s5 =	rddreg [dreg:$0x2]  }
0x4: {  	s0 =	rddreg [dreg:$0x3];
	s6 =	srdreg.scid  }
0x5: {  	s2 =	stileid.u32;
	s4 =	simm.s32 $0x0;
	s11 =	simm.s32 $0x80  }
0x6: {  	s12 =	simm.s32 $0x50;
	s13 =	simm.s32 $0x100;
	s14 =	simm.s32 $0x2900  }
0x7: {  	s15 =	simm.s32 $0x1;
	s16 =	simm.s32 $0x2;
	s7 =	smul.u32 $0x4E20, s2  }
0x8: {  	s17 =	simm.s32 $0x0;
	s6 =	sand.u32 $0x1, s6;
	s9 =	smul.u32 $0x4E200, s2  }
0x9: {  	[smem:$0x7FF] =	sst s4;
	s8 =	smul.u32 $0x2710, s6;
	s10 =	ssub.s32 $0x2, s6  }
0xa: {  	_ =	strace $0x80000047;
	s6 =	smul.u32 $0x27100, s6;
	s29 =	sshrl.u32 s10, $0x1  }
0xb: {  	s9 =	sadd.s32 s9, s5;
	s7 =	sadd.s32 s8, s7;
	s8 =	ssub.s32 s10, s29  }
0xc: {  	s31 =	sadd.s32 s6, s9;
	s10 =	simm.s32 $0x3;
	s7 =	sshrl.u32 s7, $0x3  }
0xd: {  	s6 =	sadd.s32 $0x16C00, s31;
	s30 =	sadd.s32 s7, s5;
	s5 =	smax.u32 s8, $0x1  }
0xe: {  	s7 =	sadd.s32 $0x4F8C00, s31;
	s8 =	sadd.s32 $0xCE00, s30;
	s9 =	sadd.s32 $0x3000, s30  }
.LBB2_1:
0xf: {  	s18 =	sadd.s32 $0x0, s9  }
0x10: {  	[tilespmem:s4], [sflag:$0x3] =	stream.linear.gather [hbm4b:s18+s4], $0x50, $0x38;
	[tilespmem:$0x5100] =	vst v63  }
0x11: {  	_ =	swait.ge [sflag:s10], $0x50  }
0x12: {  	[sflag:s10] =	ssyncset.done $0x0  }
0x13: {  	s31 =	sadd.s32 $0x0, s8;
	[sflag:s10] =	ssyncadd.s32 $0xFFFFFFB0  }
0x14: {  	[tilespmem:s11], [sflag:$0x3] =	stream.linear.gather [hbm4b:s31+s4], $0x50, $0x38;
	[tilespmem:$0x5100] =	vst v63  }
0x15: {  	_ =	swait.ge [sflag:s10], $0x50  }
0x16: {  	[sflag:s10] =	ssyncset.done $0x0  }
0x17: {  	[sflag:s10] =	ssyncadd.s32 $0xFFFFFFB0  }
0x18: {  	[tilespmem:s13], [sflag:$0x1] =	stream.indirect.gather [hbm4b:s1+s12], $0x80, s4, s12, $0xb8;
	[tilespmem:$0x5100] =	vst v63  }
0x19: {  	_ = 	snop  }
0x1a: {  	[tilespmem:s14], [sflag:$0x2] =	stream.indirect.gather [hbm4b:s3+s12], $0x80, s11, s12, $0xb8;
	[tilespmem:$0x5100] =	vst v63  }
0x1b: {  	_ =	swait.ge [sflag:s15], $0x2800  }
0x1c: {  	[sflag:s15] =	ssyncset.done $0x0  }
0x1d: {  	[sflag:s15] =	ssyncadd.s32 $0xFFFFD800  }
0x1e: {  	_ =	swait.ge [sflag:s16], $0x2800  }
0x1f: {  	[sflag:s16] =	ssyncset.done $0x0  }
0x20: {  	[sflag:s16] =	ssyncadd.s32 $0xFFFFD800  }
0x21: {  	[hbm4b:s6+s4] =	stream.linear.scatter [tilespmem:s13], [sflag:$0x3], $0x2800, $0x38;
	[tilespmem:$0x5100] =	vst v63  }
0x22: {  	_ =	swait.ge [sflag:s10], $0x2800  }
0x23: {  	[sflag:s10] =	ssyncset.done $0x0  }
0x24: {  	[sflag:s10] =	ssyncadd.s32 $0xFFFFD800  }
0x25: {  	[hbm4b:s7+s4] =	stream.linear.scatter [tilespmem:s14], [sflag:$0x3], $0x2800, $0x38;
	[tilespmem:$0x5100] =	vst v63  }
0x26: {  	s20 =	simm.s32 $0xA;
	s21 =	simm.s32 $0x14;
	_ =	swait.ge [sflag:s10], $0x2800  }
0x27: {  	s19 =	sadd.s32 $0x500, s6;
	s18 =	sadd.s32 $0x500, s7;
	[sflag:s10] =	ssyncset.done $0x0  }
.LBB2_2:
0x28: {  	s22 =	sadd.s32 s20, s9  }
0x29: {  	[sflag:s10] =	ssyncadd.s32 $0xFFFFD800;
	s23 =	smov.u32 s21;
	s24 =	sadd.s32 $0xA, s21  }
0x2a: {  	[tilespmem:s4], [sflag:$0x3] =	stream.linear.gather [hbm4b:s22+s4], $0x50, $0x38;
	[tilespmem:$0x5100] =	vst v63  }
0x2b: {  	p0 =	sne.s32 s21, $0x4D8;
	_ =	swait.ge [sflag:s10], $0x50  }
0x2c: {  	[sflag:s10] =	ssyncset.done $0x0  }
0x2d: {  	s21 =	sadd.s32 s20, s8;
	s20 =	smov.u32 s23;
	[sflag:s10] =	ssyncadd.s32 $0xFFFFFFB0  }
0x2e: {  	[tilespmem:s11], [sflag:$0x3] =	stream.linear.gather [hbm4b:s21+s4], $0x50, $0x38;
	[tilespmem:$0x5100] =	vst v63  }
0x2f: {  	_ =	swait.ge [sflag:s10], $0x50  }
0x30: {  	[sflag:s10] =	ssyncset.done $0x0  }
0x31: {  	[sflag:s10] =	ssyncadd.s32 $0xFFFFFFB0  }
0x32: {  	[tilespmem:s13], [sflag:$0x1] =	stream.indirect.gather [hbm4b:s1+s12], $0x80, s4, s12, $0xb8;
	[tilespmem:$0x5100] =	vst v63  }
0x33: {  	_ = 	snop  }
0x34: {  	[tilespmem:s14], [sflag:$0x2] =	stream.indirect.gather [hbm4b:s3+s12], $0x80, s11, s12, $0xb8;
	[tilespmem:$0x5100] =	vst v63  }
0x35: {  	_ =	swait.ge [sflag:s15], $0x2800  }
0x36: {  	[sflag:s15] =	ssyncset.done $0x0  }
0x37: {  	[sflag:s15] =	ssyncadd.s32 $0xFFFFD800  }
0x38: {  	_ =	swait.ge [sflag:s16], $0x2800  }
0x39: {  	[sflag:s16] =	ssyncset.done $0x0  }
0x3a: {  	[sflag:s16] =	ssyncadd.s32 $0xFFFFD800  }
0x3b: {  	[hbm4b:s19+s4] =	stream.linear.scatter [tilespmem:s13], [sflag:$0x3], $0x2800, $0x38;
	[tilespmem:$0x5100] =	vst v63  }
0x3c: {  	_ =	swait.ge [sflag:s10], $0x2800  }
.Ltmp0:
0x3d: {  	[sflag:s10] =	ssyncset.done $0x0;
	(pc) =	sbr.rel @p0 .LBB2_2-.Ltmp0, $4  }
0x3e: {  	[sflag:s10] =	ssyncadd.s32 $0xFFFFD800  }
0x3f: {  	[hbm4b:s18+s4] =	stream.linear.scatter [tilespmem:s14], [sflag:$0x3], $0x2800, $0x38;
	[tilespmem:$0x5100] =	vst v63  }
0x40: {  	s21 =	smov.u32 s24;
	_ =	swait.ge [sflag:s10], $0x2800  }
0x41: {  	s19 =	sadd.s32 $0x500, s19;
	s18 =	sadd.s32 $0x500, s18;
	[sflag:s10] =	ssyncset.done $0x0  }
0x42: {  	s21 =	sadd.s32 s20, s9;
	[sflag:s10] =	ssyncadd.s32 $0xFFFFD800  }
0x43: {  	[tilespmem:s4], [sflag:$0x3] =	stream.linear.gather [hbm4b:s21+s4], $0x50, $0x38;
	[tilespmem:$0x5100] =	vst v63  }
0x44: {  	_ =	swait.ge [sflag:s10], $0x50  }
0x45: {  	[sflag:s10] =	ssyncset.done $0x0  }
0x46: {  	s31 =	sadd.s32 s20, s8;
	[sflag:s10] =	ssyncadd.s32 $0xFFFFFFB0  }
0x47: {  	[tilespmem:s11], [sflag:$0x3] =	stream.linear.gather [hbm4b:s31+s4], $0x50, $0x38;
	[tilespmem:$0x5100] =	vst v63  }
0x48: {  	_ =	swait.ge [sflag:s10], $0x50  }
0x49: {  	[sflag:s10] =	ssyncset.done $0x0  }
0x4a: {  	[sflag:s10] =	ssyncadd.s32 $0xFFFFFFB0  }
0x4b: {  	[tilespmem:s13], [sflag:$0x1] =	stream.indirect.gather [hbm4b:s1+s12], $0x80, s4, s12, $0xb8;
	[tilespmem:$0x5100] =	vst v63  }
0x4c: {  	_ = 	snop  }
0x4d: {  	[tilespmem:s14], [sflag:$0x2] =	stream.indirect.gather [hbm4b:s3+s12], $0x80, s11, s12, $0xb8;
	[tilespmem:$0x5100] =	vst v63  }
0x4e: {  	_ =	swait.ge [sflag:s15], $0x2800  }
0x4f: {  	[sflag:s15] =	ssyncset.done $0x0  }
0x50: {  	[sflag:s15] =	ssyncadd.s32 $0xFFFFD800  }
0x51: {  	_ =	swait.ge [sflag:s16], $0x2800  }
0x52: {  	[sflag:s16] =	ssyncset.done $0x0  }
0x53: {  	[sflag:s16] =	ssyncadd.s32 $0xFFFFD800  }
0x54: {  	[hbm4b:s19+s4] =	stream.linear.scatter [tilespmem:s13], [sflag:$0x3], $0x2800, $0x38;
	[tilespmem:$0x5100] =	vst v63  }
0x55: {  	s17 =	sadd.s32 $0x1, s17;
	_ =	swait.ge [sflag:s10], $0x2800  }
0x56: {  	p0 =	sne.s32 s17, s5;
	[sflag:s10] =	ssyncset.done $0x0  }
.Ltmp1:
0x57: {  	[sflag:s10] =	ssyncadd.s32 $0xFFFFD800;
	(pc) =	sbr.rel @p0 .LBB2_1-.Ltmp1, $4  }
0x58: {  	[hbm4b:s18+s4] =	stream.linear.scatter [tilespmem:s14], [sflag:$0x3], $0x2800, $0x38;
	[tilespmem:$0x5100] =	vst v63  }
0x59: {  	_ =	swait.ge [sflag:s10], $0x2800  }
0x5a: {  	[sflag:s10] =	ssyncset.done $0x0  }
0x5b: {  	[sflag:s10] =	ssyncadd.s32 $0xFFFFD800  }
0x5c: {  	_ =	sfence.sel $0x180000  }
0x5d: {  	[bflag:$0x0] =	sbarrier.arrive $0xFFFF  }
0x5e: {  	p0 =	sne.s32 s2, $0x0;
	_ =	strace $0x90000047  }
0x5f: {  	s0 =	sadd.s32 @!p0 $0x100000, s0;
	[bflag:$0x2] =	sbarrier.arrive $0xFFFF  }
0x60: {  	[sflag:s0] =	ssyncadd.tile.s32 @!p0 $0x1;
	_ =	shalt  }
.Lfunc_end2:
_tile_overlayer_lowered:
.L_overlay_start_2:
0x61: {  	(tag) =	ssettag $0x2  }
0x62: {  	s0 =	rddreg [dreg:$0x0];
	s2 =	stileid.u32  }
0x63: {  	s1 =	rddreg [dreg:$0x1];
	p0 =	sne.s32 s2, $0x0  }
0x64: {  	s3 =	rddreg [dreg:$0x2];
	[bflag:$0x3] =	sbarrier.arrive $0xFFFF;
	s2 =	simm.s32 @!p0 $0x1C03  }
0x65: {  	[timem:s3], [sflag:s2] =	dma.local @!p0 [hbm:s0], s1  }
0x66: {  	s0 =	simm.s32 @!p0 $0x3  }
0x67: {  	_ =	swait.ge @!p0 [sflag:s0], s1  }
0x68: {  	s1 =	ssub.s32 @!p0 $0x0, s1;
	[sflag:s0] =	ssyncset.done @!p0 $0x0  }
0x69: {  	[sflag:s0] =	ssyncadd.s32 @!p0 s1  }
0x6a: {  	[bflag:$0x3] =	sbarrier.arrive $0xFFFF  }
0x6b: {  	_ =	shalt  }

</sc_bundles>
